<compile_context>
chip_gen: v7x
topology: tpu7x:2x2x1
jax: 0.10.2.dev20260603
libtpu: 0.0.44.dev20260713+nightly
codegen_flags: <defaults>
</compile_context>

<pallas_src>
import functools

import jax
import jax.numpy as jnp
from jax import lax
from jax.experimental import pallas as pl
from jax.experimental.pallas import tpu as pltpu
from jax.experimental.pallas import tpu_sc as plsc

SEQ_LEN = 4096
EMBED_DIM = 1024
BATCH = 4
TOTAL = BATCH * SEQ_LEN

NUM_CORES = 2
NUM_SUBCORES = 16
NUM_WORKERS = NUM_CORES * NUM_SUBCORES

ROWS_PER_WORKER = TOTAL // NUM_WORKERS
WORKERS_PER_BATCH = SEQ_LEN // ROWS_PER_WORKER
CHUNK = 32
N_CHUNKS = ROWS_PER_WORKER // CHUNK
NBUF = 2

_mesh = plsc.VectorSubcoreMesh(core_axis_name="c", subcore_axis_name="s")


@functools.partial(
    pl.kernel,
    mesh=_mesh,
    out_type=jax.ShapeDtypeStruct((TOTAL, EMBED_DIM), jnp.float32),
    scratch_types=[
        pltpu.VMEM((ROWS_PER_WORKER,), jnp.int32),
        pltpu.VMEM((NBUF, CHUNK, EMBED_DIM), jnp.float32),
        pltpu.SemaphoreType.DMA,
        pltpu.SemaphoreType.DMA,
        pltpu.SemaphoreType.DMA,
        pltpu.SemaphoreType.DMA,
    ],
)
def _gather_kernel(table_hbm, idx_hbm, out_hbm, idx_v, bufs,
                   gsem0, gsem1, ssem0, ssem1):
    gsems = (gsem0, gsem1)
    ssems = (ssem0, ssem1)
    wid = lax.axis_index("s") * NUM_CORES + lax.axis_index("c")
    base = wid * ROWS_PER_WORKER
    b = wid // WORKERS_PER_BATCH
    col = (wid % WORKERS_PER_BATCH) * ROWS_PER_WORKER
    pltpu.sync_copy(idx_hbm.at[b, pl.ds(col, ROWS_PER_WORKER)], idx_v)
    gathers = [None] * NBUF
    scatters = [None] * NBUF
    for j in range(NBUF - 1):
        gathers[j] = pltpu.async_copy(
            table_hbm.at[idx_v.at[pl.ds(j * CHUNK, CHUNK)]], bufs.at[j],
            gsems[j])
    for j in range(N_CHUNKS):
        cur = j % NBUF
        nxt = (j + NBUF - 1) % NBUF
        if j + NBUF - 1 < N_CHUNKS:
            if scatters[nxt] is not None:
                scatters[nxt].wait()
            gathers[nxt] = pltpu.async_copy(
                table_hbm.at[idx_v.at[pl.ds((j + NBUF - 1) * CHUNK, CHUNK)]],
                bufs.at[nxt], gsems[nxt])
        gathers[cur].wait()
        scatters[cur] = pltpu.async_copy(
            bufs.at[cur], out_hbm.at[pl.ds(base + j * CHUNK, CHUNK)],
            ssems[cur])
    for j in range(NBUF):
        scatters[(N_CHUNKS - NBUF + j) % NBUF].wait()


def kernel(input_positions, position_embeddings):
    out = _gather_kernel(position_embeddings,
                         input_positions.astype(jnp.int32))
    return jnp.reshape(out, (BATCH, SEQ_LEN, EMBED_DIM))

# --- scband reference (transcript-rebuilt; emitter-appended) ---
"""Pipeline reference for scband-position-embedding-33612414059040 (READ-ONLY COPY).

The authoritative reference and input builder live on the scoring server;
editing this copy changes nothing except your own understanding.
"""

import jax, jax.numpy as jnp
import numpy as np

SEQ_LEN = 4096
EMBED_DIM = 1024
BATCH = 4

def setup_inputs(seed: int = 0) -> dict:
    key = jax.random.key(seed)
    k1, k2 = jax.random.split(key)
    input_positions = jax.random.randint(k1, (BATCH, SEQ_LEN), 0, SEQ_LEN, dtype=jnp.int64 if jax.config.jax_enable_x64 else jnp.int32)
    # glorot_uniform init for table [SEQ_LEN, EMBED_DIM]
    limit = float(np.sqrt(6.0 / (SEQ_LEN + EMBED_DIM)))
    position_embeddings = jax.random.uniform(k2, (SEQ_LEN, EMBED_DIM), dtype=jnp.float32, minval=-limit, maxval=limit)
    return {"input_positions": input_positions, "position_embeddings": position_embeddings}

def reference(input_positions, position_embeddings):
    batch_size, seq_len = input_positions.shape
    flat_positions = jnp.reshape(input_positions, [-1])
    out = jnp.take(position_embeddings, flat_positions, axis=0)
    out = jnp.reshape(out, [batch_size, seq_len, position_embeddings.shape[-1]])
    return out

if __name__ == "__main__":
    import jax
    _d = setup_inputs()
    print(jax.jit(kernel)(*tuple(_d.values())))

</pallas_src>

<mosaic_0001>
#map = affine_map<(d0, d1) -> (0, 0)>
module attributes {stable_mosaic.version = 14 : i64} {
  func.func @_gather_kernel(%arg0: i32, %arg1: i32, %arg2: memref<4096x1024xf32, #tpu.memory_space<hbm>>, %arg3: memref<4x4096xi32, #tpu.memory_space<hbm>>, %arg4: memref<16384x1024xf32, #tpu.memory_space<hbm>>, %arg5: memref<512xi32, #tpu.memory_space<vmem>>, %arg6: memref<2x32x1024xf32, #tpu.memory_space<vmem>>, %arg7: memref<!tpu.dma_semaphore, #tpu.memory_space<semaphore_mem>>, %arg8: memref<!tpu.dma_semaphore, #tpu.memory_space<semaphore_mem>>, %arg9: memref<!tpu.dma_semaphore, #tpu.memory_space<semaphore_mem>>, %arg10: memref<!tpu.dma_semaphore, #tpu.memory_space<semaphore_mem>>) attributes {dimension_semantics = [#tpu.dimension_semantics<core_parallel>, #tpu.dimension_semantics<subcore_parallel>], iteration_bounds = array<i64: 2, 16>, scalar_prefetch = 0 : i64, scratch_operands = 6 : i64, tpu.core_type = #tpu.core_type<sc_vector_subcore>, window_params = [{transform_indices = #map}, {transform_indices = #map}, {transform_indices = #map}]} {
    %mul3A = arith.constant 2 : i32
    %mul3A_0 = arith.muli %arg1, %mul3A : i32
    %add3A = arith.addi %mul3A_0, %arg0 : i32
    %mul3A_1 = arith.constant 512 : i32
    %mul3A_2 = arith.muli %add3A, %mul3A_1 : i32
    %jit3A = arith.constant 8 : i32
    %div3A = arith.divsi %add3A, %jit3A : i32
    %sign3A = arith.constant 0 : i32
    %sign3A_3 = arith.cmpi sgt, %add3A, %sign3A : i32
    %sign3A_4 = arith.extui %sign3A_3 : i1 to i32
    %sign3A_5 = arith.constant 0 : i32
    %sign3A_6 = arith.cmpi slt, %add3A, %sign3A_5 : i32
    %sign3A_7 = arith.extui %sign3A_6 : i1 to i32
    %sign3A_8 = arith.subi %sign3A_4, %sign3A_7 : i32
    %sign3A_9 = arith.constant 0 : i32
    %sign3A_10 = arith.cmpi sgt, %jit3A, %sign3A_9 : i32
    %sign3A_11 = arith.extui %sign3A_10 : i1 to i32
    %sign3A_12 = arith.constant 0 : i32
    %sign3A_13 = arith.cmpi slt, %jit3A, %sign3A_12 : i32
    %sign3A_14 = arith.extui %sign3A_13 : i1 to i32
    %sign3A_15 = arith.subi %sign3A_11, %sign3A_14 : i32
    %ne3A = arith.cmpi ne, %sign3A_8, %sign3A_15 : i32
    %rem3A = arith.remsi %add3A, %jit3A : i32
    %ne3A_16 = arith.constant 0 : i32
    %ne3A_17 = arith.cmpi ne, %rem3A, %ne3A_16 : i32
    %and3A = arith.andi %ne3A, %ne3A_17 : i1
    %sub3A = arith.constant 1 : i32
    %sub3A_18 = arith.subi %div3A, %sub3A : i32
    %select_n3A = arith.select %and3A, %sub3A_18, %div3A : i32
    %jit3A_19 = arith.constant 8 : i32
    %eq3A = arith.constant 0 : i32
    %eq3A_20 = arith.cmpi eq, %jit3A_19, %eq3A : i32
    %jit3A_21 = arith.constant 1 : i32
    %select_n3A_22 = arith.select %eq3A_20, %jit3A_21, %jit3A_19 : i32
    %rem3A_23 = arith.remsi %add3A, %select_n3A_22 : i32
    %ne3A_24 = arith.constant 0 : i32
    %ne3A_25 = arith.cmpi ne, %rem3A_23, %ne3A_24 : i32
    %lt3A = arith.constant 0 : i32
    %lt3A_26 = arith.cmpi slt, %rem3A_23, %lt3A : i32
    %lt3A_27 = arith.constant 0 : i32
    %lt3A_28 = arith.cmpi slt, %select_n3A_22, %lt3A_27 : i32
    %ne3A_29 = arith.xori %lt3A_26, %lt3A_28 : i1
    %and3A_30 = arith.andi %ne3A_29, %ne3A_25 : i1
    %add3A_31 = arith.addi %rem3A_23, %select_n3A_22 : i32
    %select_n3A_32 = arith.select %and3A_30, %add3A_31, %rem3A_23 : i32
    %mul3A_33 = arith.constant 512 : i32
    %mul3A_34 = arith.muli %select_n3A_32, %mul3A_33 : i32
    "tpu.region"() ({
      %run_scoped3A = tpu.sem_alloc : memref<!tpu.dma_semaphore, #tpu.memory_space<semaphore_mem>>
      %dma_start3A_801 = tpu.memref_slice %arg3[%select_n3A, %mul3A_34] : memref<4x4096xi32, #tpu.memory_space<hbm>> -> memref<1x512xi32, #tpu.memory_space<hbm>>
      %dma_start3A_802 = tpu.memref_squeeze %dma_start3A_801 : memref<1x512xi32, #tpu.memory_space<hbm>> -> memref<512xi32, #tpu.memory_space<hbm>>
      %dma_start3A_803 = tpu.memref_slice %arg3[%select_n3A, %mul3A_34] : memref<4x4096xi32, #tpu.memory_space<hbm>> -> memref<1x512xi32, #tpu.memory_space<hbm>>
      %dma_start3A_804 = tpu.memref_squeeze %dma_start3A_803 : memref<1x512xi32, #tpu.memory_space<hbm>> -> memref<512xi32, #tpu.memory_space<hbm>>
      tpu.enqueue_dma source(%dma_start3A_804 : memref<512xi32, #tpu.memory_space<hbm>>) target(%arg5 : memref<512xi32, #tpu.memory_space<vmem>>) target_semaphore(%run_scoped3A : memref<!tpu.dma_semaphore, #tpu.memory_space<semaphore_mem>>)
      %dma_wait3A_805 = tpu.memref_slice %arg3[%select_n3A, %mul3A_34] : memref<4x4096xi32, #tpu.memory_space<hbm>> -> memref<1x512xi32, #tpu.memory_space<hbm>>
      %dma_wait3A_806 = tpu.memref_squeeze %dma_wait3A_805 : memref<1x512xi32, #tpu.memory_space<hbm>> -> memref<512xi32, #tpu.memory_space<hbm>>
      %dma_wait3A_807 = tpu.memref_slice %arg3[%select_n3A, %mul3A_34] : memref<4x4096xi32, #tpu.memory_space<hbm>> -> memref<1x512xi32, #tpu.memory_space<hbm>>
      %dma_wait3A_808 = tpu.memref_squeeze %dma_wait3A_807 : memref<1x512xi32, #tpu.memory_space<hbm>> -> memref<512xi32, #tpu.memory_space<hbm>>
      tpu.wait_dma2 semaphore(%run_scoped3A : memref<!tpu.dma_semaphore, #tpu.memory_space<semaphore_mem>>) src(%dma_wait3A_808 : memref<512xi32, #tpu.memory_space<hbm>>) dst(%arg5 : memref<512xi32, #tpu.memory_space<vmem>>)
      tpu.yield
    }) : () -> ()
    %dma_start3A = arith.constant 0 : i32
    %dma_start3A_35 = arith.constant 0 : i32
    %dma_start3A_36 = arith.constant 0 : i32
    %dma_start3A_37 = tpu.memref_slice %arg6[%dma_start3A, %dma_start3A_35, %dma_start3A_36] : memref<2x32x1024xf32, #tpu.memory_space<vmem>> -> memref<1x32x1024xf32, #tpu.memory_space<vmem>>
    %dma_start3A_38 = tpu.memref_squeeze %dma_start3A_37 : memref<1x32x1024xf32, #tpu.memory_space<vmem>> -> memref<32x1024xf32, #tpu.memory_space<vmem>>
    %dma_start3A_39 = arith.constant 0 : i32
    %dma_start3A_40 = tpu.memref_slice %arg5[%dma_start3A_39] : memref<512xi32, #tpu.memory_space<vmem>> -> memref<32xi32, #tpu.memory_space<vmem>>
    %dma_start3A_41 = arith.constant 0 : i32
    %dma_start3A_42 = arith.constant 0 : i32
    %dma_start3A_43 = tpu.memref_slice %arg2[%dma_start3A_41, %dma_start3A_42] : memref<4096x1024xf32, #tpu.memory_space<hbm>> -> memref<4096x1024xf32, #tpu.memory_space<hbm>>
    tpu.enqueue_indirect_dma source(%dma_start3A_43 : memref<4096x1024xf32, #tpu.memory_space<hbm>>) target(%dma_start3A_38 : memref<32x1024xf32, #tpu.memory_space<vmem>>) offsets(%dma_start3A_40 : memref<32xi32, #tpu.memory_space<vmem>>) semaphore(%arg7 : memref<!tpu.dma_semaphore, #tpu.memory_space<semaphore_mem>>)
    %dma_start3A_44 = arith.constant 1 : i32
    %dma_start3A_45 = arith.constant 0 : i32
    %dma_start3A_46 = arith.constant 0 : i32
    %dma_start3A_47 = tpu.memref_slice %arg6[%dma_start3A_44, %dma_start3A_45, %dma_start3A_46] : memref<2x32x1024xf32, #tpu.memory_space<vmem>> -> memref<1x32x1024xf32, #tpu.memory_space<vmem>>
    %dma_start3A_48 = tpu.memref_squeeze %dma_start3A_47 : memref<1x32x1024xf32, #tpu.memory_space<vmem>> -> memref<32x1024xf32, #tpu.memory_space<vmem>>
    %dma_start3A_49 = arith.constant 32 : i32
    %dma_start3A_50 = tpu.memref_slice %arg5[%dma_start3A_49] : memref<512xi32, #tpu.memory_space<vmem>> -> memref<32xi32, #tpu.memory_space<vmem>>
    %dma_start3A_51 = arith.constant 0 : i32
    %dma_start3A_52 = arith.constant 0 : i32
    %dma_start3A_53 = tpu.memref_slice %arg2[%dma_start3A_51, %dma_start3A_52] : memref<4096x1024xf32, #tpu.memory_space<hbm>> -> memref<4096x1024xf32, #tpu.memory_space<hbm>>
    tpu.enqueue_indirect_dma source(%dma_start3A_53 : memref<4096x1024xf32, #tpu.memory_space<hbm>>) target(%dma_start3A_48 : memref<32x1024xf32, #tpu.memory_space<vmem>>) offsets(%dma_start3A_50 : memref<32xi32, #tpu.memory_space<vmem>>) semaphore(%arg8 : memref<!tpu.dma_semaphore, #tpu.memory_space<semaphore_mem>>)
    %dma_wait3A = arith.constant 0 : i32
    %dma_wait3A_54 = arith.constant 0 : i32
    %dma_wait3A_55 = arith.constant 0 : i32
    %dma_wait3A_56 = tpu.memref_slice %arg6[%dma_wait3A, %dma_wait3A_54, %dma_wait3A_55] : memref<2x32x1024xf32, #tpu.memory_space<vmem>> -> memref<1x32x1024xf32, #tpu.memory_space<vmem>>
    %dma_wait3A_57 = tpu.memref_squeeze %dma_wait3A_56 : memref<1x32x1024xf32, #tpu.memory_space<vmem>> -> memref<32x1024xf32, #tpu.memory_space<vmem>>
    %dma_wait3A_58 = arith.constant 0 : i32
    %dma_wait3A_59 = tpu.memref_slice %arg5[%dma_wait3A_58] : memref<512xi32, #tpu.memory_space<vmem>> -> memref<32xi32, #tpu.memory_space<vmem>>
    %dma_wait3A_60 = arith.constant 0 : i32
    %dma_wait3A_61 = arith.constant 0 : i32
    %dma_wait3A_62 = tpu.memref_slice %arg2[%dma_wait3A_60, %dma_wait3A_61] : memref<4096x1024xf32, #tpu.memory_space<hbm>> -> memref<4096x1024xf32, #tpu.memory_space<hbm>>
    tpu.wait_indirect_dma semaphore(%arg7 : memref<!tpu.dma_semaphore, #tpu.memory_space<semaphore_mem>>) src(%dma_wait3A_62 : memref<4096x1024xf32, #tpu.memory_space<hbm>>) dst(%dma_wait3A_57 : memref<32x1024xf32, #tpu.memory_space<vmem>>)
    %add3A_63 = arith.constant 0 : i32
    %add3A_64 = arith.addi %mul3A_2, %add3A_63 : i32
    %dma_start3A_65 = arith.constant 0 : i32
    %dma_start3A_66 = arith.constant 0 : i32
    %dma_start3A_67 = arith.constant 0 : i32
    %dma_start3A_68 = tpu.memref_slice %arg6[%dma_start3A_65, %dma_start3A_66, %dma_start3A_67] : memref<2x32x1024xf32, #tpu.memory_space<vmem>> -> memref<1x32x1024xf32, #tpu.memory_space<vmem>>
    %dma_start3A_69 = tpu.memref_squeeze %dma_start3A_68 : memref<1x32x1024xf32, #tpu.memory_space<vmem>> -> memref<32x1024xf32, #tpu.memory_space<vmem>>
    %dma_start3A_70 = arith.constant 0 : i32
    %dma_start3A_71 = tpu.memref_slice %arg4[%add3A_64, %dma_start3A_70] : memref<16384x1024xf32, #tpu.memory_space<hbm>> -> memref<32x1024xf32, #tpu.memory_space<hbm>>
    %dma_start3A_72 = arith.constant 0 : i32
    %dma_start3A_73 = tpu.memref_slice %arg4[%add3A_64, %dma_start3A_72] : memref<16384x1024xf32, #tpu.memory_space<hbm>> -> memref<32x1024xf32, #tpu.memory_space<hbm>>
    %dma_start3A_74 = arith.constant 0 : i32
    %dma_start3A_75 = arith.constant 0 : i32
    %dma_start3A_76 = tpu.memref_slice %arg6[%dma_start3A_65, %dma_start3A_74, %dma_start3A_75] : memref<2x32x1024xf32, #tpu.memory_space<vmem>> -> memref<1x32x1024xf32, #tpu.memory_space<vmem>>
    %dma_start3A_77 = tpu.memref_squeeze %dma_start3A_76 : memref<1x32x1024xf32, #tpu.memory_space<vmem>> -> memref<32x1024xf32, #tpu.memory_space<vmem>>
    tpu.enqueue_dma source(%dma_start3A_77 : memref<32x1024xf32, #tpu.memory_space<vmem>>) target(%dma_start3A_73 : memref<32x1024xf32, #tpu.memory_space<hbm>>) target_semaphore(%arg9 : memref<!tpu.dma_semaphore, #tpu.memory_space<semaphore_mem>>)
    %dma_wait3A_78 = arith.constant 0 : i32
    %dma_wait3A_79 = arith.constant 0 : i32
    %dma_wait3A_80 = arith.constant 0 : i32
    %dma_wait3A_81 = tpu.memref_slice %arg6[%dma_wait3A_78, %dma_wait3A_79, %dma_wait3A_80] : memref<2x32x1024xf32, #tpu.memory_space<vmem>> -> memref<1x32x1024xf32, #tpu.memory_space<vmem>>
    %dma_wait3A_82 = tpu.memref_squeeze %dma_wait3A_81 : memref<1x32x1024xf32, #tpu.memory_space<vmem>> -> memref<32x1024xf32, #tpu.memory_space<vmem>>
    %dma_wait3A_83 = arith.constant 0 : i32
    %dma_wait3A_84 = tpu.memref_slice %arg4[%add3A_64, %dma_wait3A_83] : memref<16384x1024xf32, #tpu.memory_space<hbm>> -> memref<32x1024xf32, #tpu.memory_space<hbm>>
    %dma_wait3A_85 = arith.constant 0 : i32
    %dma_wait3A_86 = tpu.memref_slice %arg4[%add3A_64, %dma_wait3A_85] : memref<16384x1024xf32, #tpu.memory_space<hbm>> -> memref<32x1024xf32, #tpu.memory_space<hbm>>
    %dma_wait3A_87 = arith.constant 0 : i32
    %dma_wait3A_88 = arith.constant 0 : i32
    %dma_wait3A_89 = tpu.memref_slice %arg6[%dma_wait3A_78, %dma_wait3A_87, %dma_wait3A_88] : memref<2x32x1024xf32, #tpu.memory_space<vmem>> -> memref<1x32x1024xf32, #tpu.memory_space<vmem>>
    %dma_wait3A_90 = tpu.memref_squeeze %dma_wait3A_89 : memref<1x32x1024xf32, #tpu.memory_space<vmem>> -> memref<32x1024xf32, #tpu.memory_space<vmem>>
    tpu.wait_dma2 semaphore(%arg9 : memref<!tpu.dma_semaphore, #tpu.memory_space<semaphore_mem>>) src(%dma_wait3A_90 : memref<32x1024xf32, #tpu.memory_space<vmem>>) dst(%dma_wait3A_86 : memref<32x1024xf32, #tpu.memory_space<hbm>>)
    %dma_start3A_91 = arith.constant 0 : i32
    %dma_start3A_92 = arith.constant 0 : i32
    %dma_start3A_93 = arith.constant 0 : i32
    %dma_start3A_94 = tpu.memref_slice %arg6[%dma_start3A_91, %dma_start3A_92, %dma_start3A_93] : memref<2x32x1024xf32, #tpu.memory_space<vmem>> -> memref<1x32x1024xf32, #tpu.memory_space<vmem>>
    %dma_start3A_95 = tpu.memref_squeeze %dma_start3A_94 : memref<1x32x1024xf32, #tpu.memory_space<vmem>> -> memref<32x1024xf32, #tpu.memory_space<vmem>>
    %dma_start3A_96 = arith.constant 64 : i32
    %dma_start3A_97 = tpu.memref_slice %arg5[%dma_start3A_96] : memref<512xi32, #tpu.memory_space<vmem>> -> memref<32xi32, #tpu.memory_space<vmem>>
    %dma_start3A_98 = arith.constant 0 : i32
    %dma_start3A_99 = arith.constant 0 : i32
    %dma_start3A_100 = tpu.memref_slice %arg2[%dma_start3A_98, %dma_start3A_99] : memref<4096x1024xf32, #tpu.memory_space<hbm>> -> memref<4096x1024xf32, #tpu.memory_space<hbm>>
    tpu.enqueue_indirect_dma source(%dma_start3A_100 : memref<4096x1024xf32, #tpu.memory_space<hbm>>) target(%dma_start3A_95 : memref<32x1024xf32, #tpu.memory_space<vmem>>) offsets(%dma_start3A_97 : memref<32xi32, #tpu.memory_space<vmem>>) semaphore(%arg7 : memref<!tpu.dma_semaphore, #tpu.memory_space<semaphore_mem>>)
    %dma_wait3A_101 = arith.constant 1 : i32
    %dma_wait3A_102 = arith.constant 0 : i32
    %dma_wait3A_103 = arith.constant 0 : i32
    %dma_wait3A_104 = tpu.memref_slice %arg6[%dma_wait3A_101, %dma_wait3A_102, %dma_wait3A_103] : memref<2x32x1024xf32, #tpu.memory_space<vmem>> -> memref<1x32x1024xf32, #tpu.memory_space<vmem>>
    %dma_wait3A_105 = tpu.memref_squeeze %dma_wait3A_104 : memref<1x32x1024xf32, #tpu.memory_space<vmem>> -> memref<32x1024xf32, #tpu.memory_space<vmem>>
    %dma_wait3A_106 = arith.constant 32 : i32
    %dma_wait3A_107 = tpu.memref_slice %arg5[%dma_wait3A_106] : memref<512xi32, #tpu.memory_space<vmem>> -> memref<32xi32, #tpu.memory_space<vmem>>
    %dma_wait3A_108 = arith.constant 0 : i32
    %dma_wait3A_109 = arith.constant 0 : i32
    %dma_wait3A_110 = tpu.memref_slice %arg2[%dma_wait3A_108, %dma_wait3A_109] : memref<4096x1024xf32, #tpu.memory_space<hbm>> -> memref<4096x1024xf32, #tpu.memory_space<hbm>>
    tpu.wait_indirect_dma semaphore(%arg8 : memref<!tpu.dma_semaphore, #tpu.memory_space<semaphore_mem>>) src(%dma_wait3A_110 : memref<4096x1024xf32, #tpu.memory_space<hbm>>) dst(%dma_wait3A_105 : memref<32x1024xf32, #tpu.memory_space<vmem>>)
    %add3A_111 = arith.constant 32 : i32
    %add3A_112 = arith.addi %mul3A_2, %add3A_111 : i32
    %dma_start3A_113 = arith.constant 1 : i32
    %dma_start3A_114 = arith.constant 0 : i32
    %dma_start3A_115 = arith.constant 0 : i32
    %dma_start3A_116 = tpu.memref_slice %arg6[%dma_start3A_113, %dma_start3A_114, %dma_start3A_115] : memref<2x32x1024xf32, #tpu.memory_space<vmem>> -> memref<1x32x1024xf32, #tpu.memory_space<vmem>>
    %dma_start3A_117 = tpu.memref_squeeze %dma_start3A_116 : memref<1x32x1024xf32, #tpu.memory_space<vmem>> -> memref<32x1024xf32, #tpu.memory_space<vmem>>
    %dma_start3A_118 = arith.constant 0 : i32
    %dma_start3A_119 = tpu.memref_slice %arg4[%add3A_112, %dma_start3A_118] : memref<16384x1024xf32, #tpu.memory_space<hbm>> -> memref<32x1024xf32, #tpu.memory_space<hbm>>
    %dma_start3A_120 = arith.constant 0 : i32
    %dma_start3A_121 = tpu.memref_slice %arg4[%add3A_112, %dma_start3A_120] : memref<16384x1024xf32, #tpu.memory_space<hbm>> -> memref<32x1024xf32, #tpu.memory_space<hbm>>
    %dma_start3A_122 = arith.constant 0 : i32
    %dma_start3A_123 = arith.constant 0 : i32
    %dma_start3A_124 = tpu.memref_slice %arg6[%dma_start3A_113, %dma_start3A_122, %dma_start3A_123] : memref<2x32x1024xf32, #tpu.memory_space<vmem>> -> memref<1x32x1024xf32, #tpu.memory_space<vmem>>
    %dma_start3A_125 = tpu.memref_squeeze %dma_start3A_124 : memref<1x32x1024xf32, #tpu.memory_space<vmem>> -> memref<32x1024xf32, #tpu.memory_space<vmem>>
    tpu.enqueue_dma source(%dma_start3A_125 : memref<32x1024xf32, #tpu.memory_space<vmem>>) target(%dma_start3A_121 : memref<32x1024xf32, #tpu.memory_space<hbm>>) target_semaphore(%arg10 : memref<!tpu.dma_semaphore, #tpu.memory_space<semaphore_mem>>)
    %dma_wait3A_126 = arith.constant 1 : i32
    %dma_wait3A_127 = arith.constant 0 : i32
    %dma_wait3A_128 = arith.constant 0 : i32
    %dma_wait3A_129 = tpu.memref_slice %arg6[%dma_wait3A_126, %dma_wait3A_127, %dma_wait3A_128] : memref<2x32x1024xf32, #tpu.memory_space<vmem>> -> memref<1x32x1024xf32, #tpu.memory_space<vmem>>
    %dma_wait3A_130 = tpu.memref_squeeze %dma_wait3A_129 : memref<1x32x1024xf32, #tpu.memory_space<vmem>> -> memref<32x1024xf32, #tpu.memory_space<vmem>>
    %dma_wait3A_131 = arith.constant 0 : i32
    %dma_wait3A_132 = tpu.memref_slice %arg4[%add3A_112, %dma_wait3A_131] : memref<16384x1024xf32, #tpu.memory_space<hbm>> -> memref<32x1024xf32, #tpu.memory_space<hbm>>
    %dma_wait3A_133 = arith.constant 0 : i32
    %dma_wait3A_134 = tpu.memref_slice %arg4[%add3A_112, %dma_wait3A_133] : memref<16384x1024xf32, #tpu.memory_space<hbm>> -> memref<32x1024xf32, #tpu.memory_space<hbm>>
    %dma_wait3A_135 = arith.constant 0 : i32
    %dma_wait3A_136 = arith.constant 0 : i32
    %dma_wait3A_137 = tpu.memref_slice %arg6[%dma_wait3A_126, %dma_wait3A_135, %dma_wait3A_136] : memref<2x32x1024xf32, #tpu.memory_space<vmem>> -> memref<1x32x1024xf32, #tpu.memory_space<vmem>>
    %dma_wait3A_138 = tpu.memref_squeeze %dma_wait3A_137 : memref<1x32x1024xf32, #tpu.memory_space<vmem>> -> memref<32x1024xf32, #tpu.memory_space<vmem>>
    tpu.wait_dma2 semaphore(%arg10 : memref<!tpu.dma_semaphore, #tpu.memory_space<semaphore_mem>>) src(%dma_wait3A_138 : memref<32x1024xf32, #tpu.memory_space<vmem>>) dst(%dma_wait3A_134 : memref<32x1024xf32, #tpu.memory_space<hbm>>)
    %dma_start3A_139 = arith.constant 1 : i32
    %dma_start3A_140 = arith.constant 0 : i32
    %dma_start3A_141 = arith.constant 0 : i32
    %dma_start3A_142 = tpu.memref_slice %arg6[%dma_start3A_139, %dma_start3A_140, %dma_start3A_141] : memref<2x32x1024xf32, #tpu.memory_space<vmem>> -> memref<1x32x1024xf32, #tpu.memory_space<vmem>>
    %dma_start3A_143 = tpu.memref_squeeze %dma_start3A_142 : memref<1x32x1024xf32, #tpu.memory_space<vmem>> -> memref<32x1024xf32, #tpu.memory_space<vmem>>
    %dma_start3A_144 = arith.constant 96 : i32
    %dma_start3A_145 = tpu.memref_slice %arg5[%dma_start3A_144] : memref<512xi32, #tpu.memory_space<vmem>> -> memref<32xi32, #tpu.memory_space<vmem>>
    %dma_start3A_146 = arith.constant 0 : i32
    %dma_start3A_147 = arith.constant 0 : i32
    %dma_start3A_148 = tpu.memref_slice %arg2[%dma_start3A_146, %dma_start3A_147] : memref<4096x1024xf32, #tpu.memory_space<hbm>> -> memref<4096x1024xf32, #tpu.memory_space<hbm>>
    tpu.enqueue_indirect_dma source(%dma_start3A_148 : memref<4096x1024xf32, #tpu.memory_space<hbm>>) target(%dma_start3A_143 : memref<32x1024xf32, #tpu.memory_space<vmem>>) offsets(%dma_start3A_145 : memref<32xi32, #tpu.memory_space<vmem>>) semaphore(%arg8 : memref<!tpu.dma_semaphore, #tpu.memory_space<semaphore_mem>>)
    %dma_wait3A_149 = arith.constant 0 : i32
    %dma_wait3A_150 = arith.constant 0 : i32
    %dma_wait3A_151 = arith.constant 0 : i32
    %dma_wait3A_152 = tpu.memref_slice %arg6[%dma_wait3A_149, %dma_wait3A_150, %dma_wait3A_151] : memref<2x32x1024xf32, #tpu.memory_space<vmem>> -> memref<1x32x1024xf32, #tpu.memory_space<vmem>>
    %dma_wait3A_153 = tpu.memref_squeeze %dma_wait3A_152 : memref<1x32x1024xf32, #tpu.memory_space<vmem>> -> memref<32x1024xf32, #tpu.memory_space<vmem>>
    %dma_wait3A_154 = arith.constant 64 : i32
    %dma_wait3A_155 = tpu.memref_slice %arg5[%dma_wait3A_154] : memref<512xi32, #tpu.memory_space<vmem>> -> memref<32xi32, #tpu.memory_space<vmem>>
    %dma_wait3A_156 = arith.constant 0 : i32
    %dma_wait3A_157 = arith.constant 0 : i32
    %dma_wait3A_158 = tpu.memref_slice %arg2[%dma_wait3A_156, %dma_wait3A_157] : memref<4096x1024xf32, #tpu.memory_space<hbm>> -> memref<4096x1024xf32, #tpu.memory_space<hbm>>
    tpu.wait_indirect_dma semaphore(%arg7 : memref<!tpu.dma_semaphore, #tpu.memory_space<semaphore_mem>>) src(%dma_wait3A_158 : memref<4096x1024xf32, #tpu.memory_space<hbm>>) dst(%dma_wait3A_153 : memref<32x1024xf32, #tpu.memory_space<vmem>>)
    %add3A_159 = arith.constant 64 : i32
    %add3A_160 = arith.addi %mul3A_2, %add3A_159 : i32
    %dma_start3A_161 = arith.constant 0 : i32
    %dma_start3A_162 = arith.constant 0 : i32
    %dma_start3A_163 = arith.constant 0 : i32
    %dma_start3A_164 = tpu.memref_slice %arg6[%dma_start3A_161, %dma_start3A_162, %dma_start3A_163] : memref<2x32x1024xf32, #tpu.memory_space<vmem>> -> memref<1x32x1024xf32, #tpu.memory_space<vmem>>
    %dma_start3A_165 = tpu.memref_squeeze %dma_start3A_164 : memref<1x32x1024xf32, #tpu.memory_space<vmem>> -> memref<32x1024xf32, #tpu.memory_space<vmem>>
    %dma_start3A_166 = arith.constant 0 : i32
    %dma_start3A_167 = tpu.memref_slice %arg4[%add3A_160, %dma_start3A_166] : memref<16384x1024xf32, #tpu.memory_space<hbm>> -> memref<32x1024xf32, #tpu.memory_space<hbm>>
    %dma_start3A_168 = arith.constant 0 : i32
    %dma_start3A_169 = tpu.memref_slice %arg4[%add3A_160, %dma_start3A_168] : memref<16384x1024xf32, #tpu.memory_space<hbm>> -> memref<32x1024xf32, #tpu.memory_space<hbm>>
    %dma_start3A_170 = arith.constant 0 : i32
    %dma_start3A_171 = arith.constant 0 : i32
    %dma_start3A_172 = tpu.memref_slice %arg6[%dma_start3A_161, %dma_start3A_170, %dma_start3A_171] : memref<2x32x1024xf32, #tpu.memory_space<vmem>> -> memref<1x32x1024xf32, #tpu.memory_space<vmem>>
    %dma_start3A_173 = tpu.memref_squeeze %dma_start3A_172 : memref<1x32x1024xf32, #tpu.memory_space<vmem>> -> memref<32x1024xf32, #tpu.memory_space<vmem>>
    tpu.enqueue_dma source(%dma_start3A_173 : memref<32x1024xf32, #tpu.memory_space<vmem>>) target(%dma_start3A_169 : memref<32x1024xf32, #tpu.memory_space<hbm>>) target_semaphore(%arg9 : memref<!tpu.dma_semaphore, #tpu.memory_space<semaphore_mem>>)
    %dma_wait3A_174 = arith.constant 0 : i32
    %dma_wait3A_175 = arith.constant 0 : i32
    %dma_wait3A_176 = arith.constant 0 : i32
    %dma_wait3A_177 = tpu.memref_slice %arg6[%dma_wait3A_174, %dma_wait3A_175, %dma_wait3A_176] : memref<2x32x1024xf32, #tpu.memory_space<vmem>> -> memref<1x32x1024xf32, #tpu.memory_space<vmem>>
    %dma_wait3A_178 = tpu.memref_squeeze %dma_wait3A_177 : memref<1x32x1024xf32, #tpu.memory_space<vmem>> -> memref<32x1024xf32, #tpu.memory_space<vmem>>
    %dma_wait3A_179 = arith.constant 0 : i32
    %dma_wait3A_180 = tpu.memref_slice %arg4[%add3A_160, %dma_wait3A_179] : memref<16384x1024xf32, #tpu.memory_space<hbm>> -> memref<32x1024xf32, #tpu.memory_space<hbm>>
    %dma_wait3A_181 = arith.constant 0 : i32
    %dma_wait3A_182 = tpu.memref_slice %arg4[%add3A_160, %dma_wait3A_181] : memref<16384x1024xf32, #tpu.memory_space<hbm>> -> memref<32x1024xf32, #tpu.memory_space<hbm>>
    %dma_wait3A_183 = arith.constant 0 : i32
    %dma_wait3A_184 = arith.constant 0 : i32
    %dma_wait3A_185 = tpu.memref_slice %arg6[%dma_wait3A_174, %dma_wait3A_183, %dma_wait3A_184] : memref<2x32x1024xf32, #tpu.memory_space<vmem>> -> memref<1x32x1024xf32, #tpu.memory_space<vmem>>
    %dma_wait3A_186 = tpu.memref_squeeze %dma_wait3A_185 : memref<1x32x1024xf32, #tpu.memory_space<vmem>> -> memref<32x1024xf32, #tpu.memory_space<vmem>>
    tpu.wait_dma2 semaphore(%arg9 : memref<!tpu.dma_semaphore, #tpu.memory_space<semaphore_mem>>) src(%dma_wait3A_186 : memref<32x1024xf32, #tpu.memory_space<vmem>>) dst(%dma_wait3A_182 : memref<32x1024xf32, #tpu.memory_space<hbm>>)
    %dma_start3A_187 = arith.constant 0 : i32
    %dma_start3A_188 = arith.constant 0 : i32
    %dma_start3A_189 = arith.constant 0 : i32
    %dma_start3A_190 = tpu.memref_slice %arg6[%dma_start3A_187, %dma_start3A_188, %dma_start3A_189] : memref<2x32x1024xf32, #tpu.memory_space<vmem>> -> memref<1x32x1024xf32, #tpu.memory_space<vmem>>
    %dma_start3A_191 = tpu.memref_squeeze %dma_start3A_190 : memref<1x32x1024xf32, #tpu.memory_space<vmem>> -> memref<32x1024xf32, #tpu.memory_space<vmem>>
    %dma_start3A_192 = arith.constant 128 : i32
    %dma_start3A_193 = tpu.memref_slice %arg5[%dma_start3A_192] : memref<512xi32, #tpu.memory_space<vmem>> -> memref<32xi32, #tpu.memory_space<vmem>>
    %dma_start3A_194 = arith.constant 0 : i32
    %dma_start3A_195 = arith.constant 0 : i32
    %dma_start3A_196 = tpu.memref_slice %arg2[%dma_start3A_194, %dma_start3A_195] : memref<4096x1024xf32, #tpu.memory_space<hbm>> -> memref<4096x1024xf32, #tpu.memory_space<hbm>>
    tpu.enqueue_indirect_dma source(%dma_start3A_196 : memref<4096x1024xf32, #tpu.memory_space<hbm>>) target(%dma_start3A_191 : memref<32x1024xf32, #tpu.memory_space<vmem>>) offsets(%dma_start3A_193 : memref<32xi32, #tpu.memory_space<vmem>>) semaphore(%arg7 : memref<!tpu.dma_semaphore, #tpu.memory_space<semaphore_mem>>)
    %dma_wait3A_197 = arith.constant 1 : i32
    %dma_wait3A_198 = arith.constant 0 : i32
    %dma_wait3A_199 = arith.constant 0 : i32
    %dma_wait3A_200 = tpu.memref_slice %arg6[%dma_wait3A_197, %dma_wait3A_198, %dma_wait3A_199] : memref<2x32x1024xf32, #tpu.memory_space<vmem>> -> memref<1x32x1024xf32, #tpu.memory_space<vmem>>
    %dma_wait3A_201 = tpu.memref_squeeze %dma_wait3A_200 : memref<1x32x1024xf32, #tpu.memory_space<vmem>> -> memref<32x1024xf32, #tpu.memory_space<vmem>>
    %dma_wait3A_202 = arith.constant 96 : i32
    %dma_wait3A_203 = tpu.memref_slice %arg5[%dma_wait3A_202] : memref<512xi32, #tpu.memory_space<vmem>> -> memref<32xi32, #tpu.memory_space<vmem>>
    %dma_wait3A_204 = arith.constant 0 : i32
    %dma_wait3A_205 = arith.constant 0 : i32
    %dma_wait3A_206 = tpu.memref_slice %arg2[%dma_wait3A_204, %dma_wait3A_205] : memref<4096x1024xf32, #tpu.memory_space<hbm>> -> memref<4096x1024xf32, #tpu.memory_space<hbm>>
    tpu.wait_indirect_dma semaphore(%arg8 : memref<!tpu.dma_semaphore, #tpu.memory_space<semaphore_mem>>) src(%dma_wait3A_206 : memref<4096x1024xf32, #tpu.memory_space<hbm>>) dst(%dma_wait3A_201 : memref<32x1024xf32, #tpu.memory_space<vmem>>)
    %add3A_207 = arith.constant 96 : i32
    %add3A_208 = arith.addi %mul3A_2, %add3A_207 : i32
    %dma_start3A_209 = arith.constant 1 : i32
    %dma_start3A_210 = arith.constant 0 : i32
    %dma_start3A_211 = arith.constant 0 : i32
    %dma_start3A_212 = tpu.memref_slice %arg6[%dma_start3A_209, %dma_start3A_210, %dma_start3A_211] : memref<2x32x1024xf32, #tpu.memory_space<vmem>> -> memref<1x32x1024xf32, #tpu.memory_space<vmem>>
    %dma_start3A_213 = tpu.memref_squeeze %dma_start3A_212 : memref<1x32x1024xf32, #tpu.memory_space<vmem>> -> memref<32x1024xf32, #tpu.memory_space<vmem>>
    %dma_start3A_214 = arith.constant 0 : i32
    %dma_start3A_215 = tpu.memref_slice %arg4[%add3A_208, %dma_start3A_214] : memref<16384x1024xf32, #tpu.memory_space<hbm>> -> memref<32x1024xf32, #tpu.memory_space<hbm>>
    %dma_start3A_216 = arith.constant 0 : i32
    %dma_start3A_217 = tpu.memref_slice %arg4[%add3A_208, %dma_start3A_216] : memref<16384x1024xf32, #tpu.memory_space<hbm>> -> memref<32x1024xf32, #tpu.memory_space<hbm>>
    %dma_start3A_218 = arith.constant 0 : i32
    %dma_start3A_219 = arith.constant 0 : i32
    %dma_start3A_220 = tpu.memref_slice %arg6[%dma_start3A_209, %dma_start3A_218, %dma_start3A_219] : memref<2x32x1024xf32, #tpu.memory_space<vmem>> -> memref<1x32x1024xf32, #tpu.memory_space<vmem>>
    %dma_start3A_221 = tpu.memref_squeeze %dma_start3A_220 : memref<1x32x1024xf32, #tpu.memory_space<vmem>> -> memref<32x1024xf32, #tpu.memory_space<vmem>>
    tpu.enqueue_dma source(%dma_start3A_221 : memref<32x1024xf32, #tpu.memory_space<vmem>>) target(%dma_start3A_217 : memref<32x1024xf32, #tpu.memory_space<hbm>>) target_semaphore(%arg10 : memref<!tpu.dma_semaphore, #tpu.memory_space<semaphore_mem>>)
    %dma_wait3A_222 = arith.constant 1 : i32
    %dma_wait3A_223 = arith.constant 0 : i32
    %dma_wait3A_224 = arith.constant 0 : i32
    %dma_wait3A_225 = tpu.memref_slice %arg6[%dma_wait3A_222, %dma_wait3A_223, %dma_wait3A_224] : memref<2x32x1024xf32, #tpu.memory_space<vmem>> -> memref<1x32x1024xf32, #tpu.memory_space<vmem>>
    %dma_wait3A_226 = tpu.memref_squeeze %dma_wait3A_225 : memref<1x32x1024xf32, #tpu.memory_space<vmem>> -> memref<32x1024xf32, #tpu.memory_space<vmem>>
    %dma_wait3A_227 = arith.constant 0 : i32
    %dma_wait3A_228 = tpu.memref_slice %arg4[%add3A_208, %dma_wait3A_227] : memref<16384x1024xf32, #tpu.memory_space<hbm>> -> memref<32x1024xf32, #tpu.memory_space<hbm>>
    %dma_wait3A_229 = arith.constant 0 : i32
    %dma_wait3A_230 = tpu.memref_slice %arg4[%add3A_208, %dma_wait3A_229] : memref<16384x1024xf32, #tpu.memory_space<hbm>> -> memref<32x1024xf32, #tpu.memory_space<hbm>>
    %dma_wait3A_231 = arith.constant 0 : i32
    %dma_wait3A_232 = arith.constant 0 : i32
    %dma_wait3A_233 = tpu.memref_slice %arg6[%dma_wait3A_222, %dma_wait3A_231, %dma_wait3A_232] : memref<2x32x1024xf32, #tpu.memory_space<vmem>> -> memref<1x32x1024xf32, #tpu.memory_space<vmem>>
    %dma_wait3A_234 = tpu.memref_squeeze %dma_wait3A_233 : memref<1x32x1024xf32, #tpu.memory_space<vmem>> -> memref<32x1024xf32, #tpu.memory_space<vmem>>
    tpu.wait_dma2 semaphore(%arg10 : memref<!tpu.dma_semaphore, #tpu.memory_space<semaphore_mem>>) src(%dma_wait3A_234 : memref<32x1024xf32, #tpu.memory_space<vmem>>) dst(%dma_wait3A_230 : memref<32x1024xf32, #tpu.memory_space<hbm>>)
    %dma_start3A_235 = arith.constant 1 : i32
    %dma_start3A_236 = arith.constant 0 : i32
    %dma_start3A_237 = arith.constant 0 : i32
    %dma_start3A_238 = tpu.memref_slice %arg6[%dma_start3A_235, %dma_start3A_236, %dma_start3A_237] : memref<2x32x1024xf32, #tpu.memory_space<vmem>> -> memref<1x32x1024xf32, #tpu.memory_space<vmem>>
    %dma_start3A_239 = tpu.memref_squeeze %dma_start3A_238 : memref<1x32x1024xf32, #tpu.memory_space<vmem>> -> memref<32x1024xf32, #tpu.memory_space<vmem>>
    %dma_start3A_240 = arith.constant 160 : i32
    %dma_start3A_241 = tpu.memref_slice %arg5[%dma_start3A_240] : memref<512xi32, #tpu.memory_space<vmem>> -> memref<32xi32, #tpu.memory_space<vmem>>
    %dma_start3A_242 = arith.constant 0 : i32
    %dma_start3A_243 = arith.constant 0 : i32
    %dma_start3A_244 = tpu.memref_slice %arg2[%dma_start3A_242, %dma_start3A_243] : memref<4096x1024xf32, #tpu.memory_space<hbm>> -> memref<4096x1024xf32, #tpu.memory_space<hbm>>
    tpu.enqueue_indirect_dma source(%dma_start3A_244 : memref<4096x1024xf32, #tpu.memory_space<hbm>>) target(%dma_start3A_239 : memref<32x1024xf32, #tpu.memory_space<vmem>>) offsets(%dma_start3A_241 : memref<32xi32, #tpu.memory_space<vmem>>) semaphore(%arg8 : memref<!tpu.dma_semaphore, #tpu.memory_space<semaphore_mem>>)
    %dma_wait3A_245 = arith.constant 0 : i32
    %dma_wait3A_246 = arith.constant 0 : i32
    %dma_wait3A_247 = arith.constant 0 : i32
    %dma_wait3A_248 = tpu.memref_slice %arg6[%dma_wait3A_245, %dma_wait3A_246, %dma_wait3A_247] : memref<2x32x1024xf32, #tpu.memory_space<vmem>> -> memref<1x32x1024xf32, #tpu.memory_space<vmem>>
    %dma_wait3A_249 = tpu.memref_squeeze %dma_wait3A_248 : memref<1x32x1024xf32, #tpu.memory_space<vmem>> -> memref<32x1024xf32, #tpu.memory_space<vmem>>
    %dma_wait3A_250 = arith.constant 128 : i32
    %dma_wait3A_251 = tpu.memref_slice %arg5[%dma_wait3A_250] : memref<512xi32, #tpu.memory_space<vmem>> -> memref<32xi32, #tpu.memory_space<vmem>>
    %dma_wait3A_252 = arith.constant 0 : i32
    %dma_wait3A_253 = arith.constant 0 : i32
    %dma_wait3A_254 = tpu.memref_slice %arg2[%dma_wait3A_252, %dma_wait3A_253] : memref<4096x1024xf32, #tpu.memory_space<hbm>> -> memref<4096x1024xf32, #tpu.memory_space<hbm>>
    tpu.wait_indirect_dma semaphore(%arg7 : memref<!tpu.dma_semaphore, #tpu.memory_space<semaphore_mem>>) src(%dma_wait3A_254 : memref<4096x1024xf32, #tpu.memory_space<hbm>>) dst(%dma_wait3A_249 : memref<32x1024xf32, #tpu.memory_space<vmem>>)
    %add3A_255 = arith.constant 128 : i32
    %add3A_256 = arith.addi %mul3A_2, %add3A_255 : i32
    %dma_start3A_257 = arith.constant 0 : i32
    %dma_start3A_258 = arith.constant 0 : i32
    %dma_start3A_259 = arith.constant 0 : i32
    %dma_start3A_260 = tpu.memref_slice %arg6[%dma_start3A_257, %dma_start3A_258, %dma_start3A_259] : memref<2x32x1024xf32, #tpu.memory_space<vmem>> -> memref<1x32x1024xf32, #tpu.memory_space<vmem>>
    %dma_start3A_261 = tpu.memref_squeeze %dma_start3A_260 : memref<1x32x1024xf32, #tpu.memory_space<vmem>> -> memref<32x1024xf32, #tpu.memory_space<vmem>>
    %dma_start3A_262 = arith.constant 0 : i32
    %dma_start3A_263 = tpu.memref_slice %arg4[%add3A_256, %dma_start3A_262] : memref<16384x1024xf32, #tpu.memory_space<hbm>> -> memref<32x1024xf32, #tpu.memory_space<hbm>>
    %dma_start3A_264 = arith.constant 0 : i32
    %dma_start3A_265 = tpu.memref_slice %arg4[%add3A_256, %dma_start3A_264] : memref<16384x1024xf32, #tpu.memory_space<hbm>> -> memref<32x1024xf32, #tpu.memory_space<hbm>>
    %dma_start3A_266 = arith.constant 0 : i32
    %dma_start3A_267 = arith.constant 0 : i32
    %dma_start3A_268 = tpu.memref_slice %arg6[%dma_start3A_257, %dma_start3A_266, %dma_start3A_267] : memref<2x32x1024xf32, #tpu.memory_space<vmem>> -> memref<1x32x1024xf32, #tpu.memory_space<vmem>>
    %dma_start3A_269 = tpu.memref_squeeze %dma_start3A_268 : memref<1x32x1024xf32, #tpu.memory_space<vmem>> -> memref<32x1024xf32, #tpu.memory_space<vmem>>
    tpu.enqueue_dma source(%dma_start3A_269 : memref<32x1024xf32, #tpu.memory_space<vmem>>) target(%dma_start3A_265 : memref<32x1024xf32, #tpu.memory_space<hbm>>) target_semaphore(%arg9 : memref<!tpu.dma_semaphore, #tpu.memory_space<semaphore_mem>>)
    %dma_wait3A_270 = arith.constant 0 : i32
    %dma_wait3A_271 = arith.constant 0 : i32
    %dma_wait3A_272 = arith.constant 0 : i32
    %dma_wait3A_273 = tpu.memref_slice %arg6[%dma_wait3A_270, %dma_wait3A_271, %dma_wait3A_272] : memref<2x32x1024xf32, #tpu.memory_space<vmem>> -> memref<1x32x1024xf32, #tpu.memory_space<vmem>>
    %dma_wait3A_274 = tpu.memref_squeeze %dma_wait3A_273 : memref<1x32x1024xf32, #tpu.memory_space<vmem>> -> memref<32x1024xf32, #tpu.memory_space<vmem>>
    %dma_wait3A_275 = arith.constant 0 : i32
    %dma_wait3A_276 = tpu.memref_slice %arg4[%add3A_256, %dma_wait3A_275] : memref<16384x1024xf32, #tpu.memory_space<hbm>> -> memref<32x1024xf32, #tpu.memory_space<hbm>>
    %dma_wait3A_277 = arith.constant 0 : i32
    %dma_wait3A_278 = tpu.memref_slice %arg4[%add3A_256, %dma_wait3A_277] : memref<16384x1024xf32, #tpu.memory_space<hbm>> -> memref<32x1024xf32, #tpu.memory_space<hbm>>
    %dma_wait3A_279 = arith.constant 0 : i32
    %dma_wait3A_280 = arith.constant 0 : i32
    %dma_wait3A_281 = tpu.memref_slice %arg6[%dma_wait3A_270, %dma_wait3A_279, %dma_wait3A_280] : memref<2x32x1024xf32, #tpu.memory_space<vmem>> -> memref<1x32x1024xf32, #tpu.memory_space<vmem>>
    %dma_wait3A_282 = tpu.memref_squeeze %dma_wait3A_281 : memref<1x32x1024xf32, #tpu.memory_space<vmem>> -> memref<32x1024xf32, #tpu.memory_space<vmem>>
    tpu.wait_dma2 semaphore(%arg9 : memref<!tpu.dma_semaphore, #tpu.memory_space<semaphore_mem>>) src(%dma_wait3A_282 : memref<32x1024xf32, #tpu.memory_space<vmem>>) dst(%dma_wait3A_278 : memref<32x1024xf32, #tpu.memory_space<hbm>>)
    %dma_start3A_283 = arith.constant 0 : i32
    %dma_start3A_284 = arith.constant 0 : i32
    %dma_start3A_285 = arith.constant 0 : i32
    %dma_start3A_286 = tpu.memref_slice %arg6[%dma_start3A_283, %dma_start3A_284, %dma_start3A_285] : memref<2x32x1024xf32, #tpu.memory_space<vmem>> -> memref<1x32x1024xf32, #tpu.memory_space<vmem>>
    %dma_start3A_287 = tpu.memref_squeeze %dma_start3A_286 : memref<1x32x1024xf32, #tpu.memory_space<vmem>> -> memref<32x1024xf32, #tpu.memory_space<vmem>>
    %dma_start3A_288 = arith.constant 192 : i32
    %dma_start3A_289 = tpu.memref_slice %arg5[%dma_start3A_288] : memref<512xi32, #tpu.memory_space<vmem>> -> memref<32xi32, #tpu.memory_space<vmem>>
    %dma_start3A_290 = arith.constant 0 : i32
    %dma_start3A_291 = arith.constant 0 : i32
    %dma_start3A_292 = tpu.memref_slice %arg2[%dma_start3A_290, %dma_start3A_291] : memref<4096x1024xf32, #tpu.memory_space<hbm>> -> memref<4096x1024xf32, #tpu.memory_space<hbm>>
    tpu.enqueue_indirect_dma source(%dma_start3A_292 : memref<4096x1024xf32, #tpu.memory_space<hbm>>) target(%dma_start3A_287 : memref<32x1024xf32, #tpu.memory_space<vmem>>) offsets(%dma_start3A_289 : memref<32xi32, #tpu.memory_space<vmem>>) semaphore(%arg7 : memref<!tpu.dma_semaphore, #tpu.memory_space<semaphore_mem>>)
    %dma_wait3A_293 = arith.constant 1 : i32
    %dma_wait3A_294 = arith.constant 0 : i32
    %dma_wait3A_295 = arith.constant 0 : i32
    %dma_wait3A_296 = tpu.memref_slice %arg6[%dma_wait3A_293, %dma_wait3A_294, %dma_wait3A_295] : memref<2x32x1024xf32, #tpu.memory_space<vmem>> -> memref<1x32x1024xf32, #tpu.memory_space<vmem>>
    %dma_wait3A_297 = tpu.memref_squeeze %dma_wait3A_296 : memref<1x32x1024xf32, #tpu.memory_space<vmem>> -> memref<32x1024xf32, #tpu.memory_space<vmem>>
    %dma_wait3A_298 = arith.constant 160 : i32
    %dma_wait3A_299 = tpu.memref_slice %arg5[%dma_wait3A_298] : memref<512xi32, #tpu.memory_space<vmem>> -> memref<32xi32, #tpu.memory_space<vmem>>
    %dma_wait3A_300 = arith.constant 0 : i32
    %dma_wait3A_301 = arith.constant 0 : i32
    %dma_wait3A_302 = tpu.memref_slice %arg2[%dma_wait3A_300, %dma_wait3A_301] : memref<4096x1024xf32, #tpu.memory_space<hbm>> -> memref<4096x1024xf32, #tpu.memory_space<hbm>>
    tpu.wait_indirect_dma semaphore(%arg8 : memref<!tpu.dma_semaphore, #tpu.memory_space<semaphore_mem>>) src(%dma_wait3A_302 : memref<4096x1024xf32, #tpu.memory_space<hbm>>) dst(%dma_wait3A_297 : memref<32x1024xf32, #tpu.memory_space<vmem>>)
    %add3A_303 = arith.constant 160 : i32
    %add3A_304 = arith.addi %mul3A_2, %add3A_303 : i32
    %dma_start3A_305 = arith.constant 1 : i32
    %dma_start3A_306 = arith.constant 0 : i32
    %dma_start3A_307 = arith.constant 0 : i32
    %dma_start3A_308 = tpu.memref_slice %arg6[%dma_start3A_305, %dma_start3A_306, %dma_start3A_307] : memref<2x32x1024xf32, #tpu.memory_space<vmem>> -> memref<1x32x1024xf32, #tpu.memory_space<vmem>>
    %dma_start3A_309 = tpu.memref_squeeze %dma_start3A_308 : memref<1x32x1024xf32, #tpu.memory_space<vmem>> -> memref<32x1024xf32, #tpu.memory_space<vmem>>
    %dma_start3A_310 = arith.constant 0 : i32
    %dma_start3A_311 = tpu.memref_slice %arg4[%add3A_304, %dma_start3A_310] : memref<16384x1024xf32, #tpu.memory_space<hbm>> -> memref<32x1024xf32, #tpu.memory_space<hbm>>
    %dma_start3A_312 = arith.constant 0 : i32
    %dma_start3A_313 = tpu.memref_slice %arg4[%add3A_304, %dma_start3A_312] : memref<16384x1024xf32, #tpu.memory_space<hbm>> -> memref<32x1024xf32, #tpu.memory_space<hbm>>
    %dma_start3A_314 = arith.constant 0 : i32
    %dma_start3A_315 = arith.constant 0 : i32
    %dma_start3A_316 = tpu.memref_slice %arg6[%dma_start3A_305, %dma_start3A_314, %dma_start3A_315] : memref<2x32x1024xf32, #tpu.memory_space<vmem>> -> memref<1x32x1024xf32, #tpu.memory_space<vmem>>
    %dma_start3A_317 = tpu.memref_squeeze %dma_start3A_316 : memref<1x32x1024xf32, #tpu.memory_space<vmem>> -> memref<32x1024xf32, #tpu.memory_space<vmem>>
    tpu.enqueue_dma source(%dma_start3A_317 : memref<32x1024xf32, #tpu.memory_space<vmem>>) target(%dma_start3A_313 : memref<32x1024xf32, #tpu.memory_space<hbm>>) target_semaphore(%arg10 : memref<!tpu.dma_semaphore, #tpu.memory_space<semaphore_mem>>)
    %dma_wait3A_318 = arith.constant 1 : i32
    %dma_wait3A_319 = arith.constant 0 : i32
    %dma_wait3A_320 = arith.constant 0 : i32
    %dma_wait3A_321 = tpu.memref_slice %arg6[%dma_wait3A_318, %dma_wait3A_319, %dma_wait3A_320] : memref<2x32x1024xf32, #tpu.memory_space<vmem>> -> memref<1x32x1024xf32, #tpu.memory_space<vmem>>
    %dma_wait3A_322 = tpu.memref_squeeze %dma_wait3A_321 : memref<1x32x1024xf32, #tpu.memory_space<vmem>> -> memref<32x1024xf32, #tpu.memory_space<vmem>>
    %dma_wait3A_323 = arith.constant 0 : i32
    %dma_wait3A_324 = tpu.memref_slice %arg4[%add3A_304, %dma_wait3A_323] : memref<16384x1024xf32, #tpu.memory_space<hbm>> -> memref<32x1024xf32, #tpu.memory_space<hbm>>
    %dma_wait3A_325 = arith.constant 0 : i32
    %dma_wait3A_326 = tpu.memref_slice %arg4[%add3A_304, %dma_wait3A_325] : memref<16384x1024xf32, #tpu.memory_space<hbm>> -> memref<32x1024xf32, #tpu.memory_space<hbm>>
    %dma_wait3A_327 = arith.constant 0 : i32
    %dma_wait3A_328 = arith.constant 0 : i32
    %dma_wait3A_329 = tpu.memref_slice %arg6[%dma_wait3A_318, %dma_wait3A_327, %dma_wait3A_328] : memref<2x32x1024xf32, #tpu.memory_space<vmem>> -> memref<1x32x1024xf32, #tpu.memory_space<vmem>>
    %dma_wait3A_330 = tpu.memref_squeeze %dma_wait3A_329 : memref<1x32x1024xf32, #tpu.memory_space<vmem>> -> memref<32x1024xf32, #tpu.memory_space<vmem>>
    tpu.wait_dma2 semaphore(%arg10 : memref<!tpu.dma_semaphore, #tpu.memory_space<semaphore_mem>>) src(%dma_wait3A_330 : memref<32x1024xf32, #tpu.memory_space<vmem>>) dst(%dma_wait3A_326 : memref<32x1024xf32, #tpu.memory_space<hbm>>)
    %dma_start3A_331 = arith.constant 1 : i32
    %dma_start3A_332 = arith.constant 0 : i32
    %dma_start3A_333 = arith.constant 0 : i32
    %dma_start3A_334 = tpu.memref_slice %arg6[%dma_start3A_331, %dma_start3A_332, %dma_start3A_333] : memref<2x32x1024xf32, #tpu.memory_space<vmem>> -> memref<1x32x1024xf32, #tpu.memory_space<vmem>>
    %dma_start3A_335 = tpu.memref_squeeze %dma_start3A_334 : memref<1x32x1024xf32, #tpu.memory_space<vmem>> -> memref<32x1024xf32, #tpu.memory_space<vmem>>
    %dma_start3A_336 = arith.constant 224 : i32
    %dma_start3A_337 = tpu.memref_slice %arg5[%dma_start3A_336] : memref<512xi32, #tpu.memory_space<vmem>> -> memref<32xi32, #tpu.memory_space<vmem>>
    %dma_start3A_338 = arith.constant 0 : i32
    %dma_start3A_339 = arith.constant 0 : i32
    %dma_start3A_340 = tpu.memref_slice %arg2[%dma_start3A_338, %dma_start3A_339] : memref<4096x1024xf32, #tpu.memory_space<hbm>> -> memref<4096x1024xf32, #tpu.memory_space<hbm>>
    tpu.enqueue_indirect_dma source(%dma_start3A_340 : memref<4096x1024xf32, #tpu.memory_space<hbm>>) target(%dma_start3A_335 : memref<32x1024xf32, #tpu.memory_space<vmem>>) offsets(%dma_start3A_337 : memref<32xi32, #tpu.memory_space<vmem>>) semaphore(%arg8 : memref<!tpu.dma_semaphore, #tpu.memory_space<semaphore_mem>>)
    %dma_wait3A_341 = arith.constant 0 : i32
    %dma_wait3A_342 = arith.constant 0 : i32
    %dma_wait3A_343 = arith.constant 0 : i32
    %dma_wait3A_344 = tpu.memref_slice %arg6[%dma_wait3A_341, %dma_wait3A_342, %dma_wait3A_343] : memref<2x32x1024xf32, #tpu.memory_space<vmem>> -> memref<1x32x1024xf32, #tpu.memory_space<vmem>>
    %dma_wait3A_345 = tpu.memref_squeeze %dma_wait3A_344 : memref<1x32x1024xf32, #tpu.memory_space<vmem>> -> memref<32x1024xf32, #tpu.memory_space<vmem>>
    %dma_wait3A_346 = arith.constant 192 : i32
    %dma_wait3A_347 = tpu.memref_slice %arg5[%dma_wait3A_346] : memref<512xi32, #tpu.memory_space<vmem>> -> memref<32xi32, #tpu.memory_space<vmem>>
    %dma_wait3A_348 = arith.constant 0 : i32
    %dma_wait3A_349 = arith.constant 0 : i32
    %dma_wait3A_350 = tpu.memref_slice %arg2[%dma_wait3A_348, %dma_wait3A_349] : memref<4096x1024xf32, #tpu.memory_space<hbm>> -> memref<4096x1024xf32, #tpu.memory_space<hbm>>
    tpu.wait_indirect_dma semaphore(%arg7 : memref<!tpu.dma_semaphore, #tpu.memory_space<semaphore_mem>>) src(%dma_wait3A_350 : memref<4096x1024xf32, #tpu.memory_space<hbm>>) dst(%dma_wait3A_345 : memref<32x1024xf32, #tpu.memory_space<vmem>>)
    %add3A_351 = arith.constant 192 : i32
    %add3A_352 = arith.addi %mul3A_2, %add3A_351 : i32
    %dma_start3A_353 = arith.constant 0 : i32
    %dma_start3A_354 = arith.constant 0 : i32
    %dma_start3A_355 = arith.constant 0 : i32
    %dma_start3A_356 = tpu.memref_slice %arg6[%dma_start3A_353, %dma_start3A_354, %dma_start3A_355] : memref<2x32x1024xf32, #tpu.memory_space<vmem>> -> memref<1x32x1024xf32, #tpu.memory_space<vmem>>
    %dma_start3A_357 = tpu.memref_squeeze %dma_start3A_356 : memref<1x32x1024xf32, #tpu.memory_space<vmem>> -> memref<32x1024xf32, #tpu.memory_space<vmem>>
    %dma_start3A_358 = arith.constant 0 : i32
    %dma_start3A_359 = tpu.memref_slice %arg4[%add3A_352, %dma_start3A_358] : memref<16384x1024xf32, #tpu.memory_space<hbm>> -> memref<32x1024xf32, #tpu.memory_space<hbm>>
    %dma_start3A_360 = arith.constant 0 : i32
    %dma_start3A_361 = tpu.memref_slice %arg4[%add3A_352, %dma_start3A_360] : memref<16384x1024xf32, #tpu.memory_space<hbm>> -> memref<32x1024xf32, #tpu.memory_space<hbm>>
    %dma_start3A_362 = arith.constant 0 : i32
    %dma_start3A_363 = arith.constant 0 : i32
    %dma_start3A_364 = tpu.memref_slice %arg6[%dma_start3A_353, %dma_start3A_362, %dma_start3A_363] : memref<2x32x1024xf32, #tpu.memory_space<vmem>> -> memref<1x32x1024xf32, #tpu.memory_space<vmem>>
    %dma_start3A_365 = tpu.memref_squeeze %dma_start3A_364 : memref<1x32x1024xf32, #tpu.memory_space<vmem>> -> memref<32x1024xf32, #tpu.memory_space<vmem>>
    tpu.enqueue_dma source(%dma_start3A_365 : memref<32x1024xf32, #tpu.memory_space<vmem>>) target(%dma_start3A_361 : memref<32x1024xf32, #tpu.memory_space<hbm>>) target_semaphore(%arg9 : memref<!tpu.dma_semaphore, #tpu.memory_space<semaphore_mem>>)
    %dma_wait3A_366 = arith.constant 0 : i32
    %dma_wait3A_367 = arith.constant 0 : i32
    %dma_wait3A_368 = arith.constant 0 : i32
    %dma_wait3A_369 = tpu.memref_slice %arg6[%dma_wait3A_366, %dma_wait3A_367, %dma_wait3A_368] : memref<2x32x1024xf32, #tpu.memory_space<vmem>> -> memref<1x32x1024xf32, #tpu.memory_space<vmem>>
    %dma_wait3A_370 = tpu.memref_squeeze %dma_wait3A_369 : memref<1x32x1024xf32, #tpu.memory_space<vmem>> -> memref<32x1024xf32, #tpu.memory_space<vmem>>
    %dma_wait3A_371 = arith.constant 0 : i32
    %dma_wait3A_372 = tpu.memref_slice %arg4[%add3A_352, %dma_wait3A_371] : memref<16384x1024xf32, #tpu.memory_space<hbm>> -> memref<32x1024xf32, #tpu.memory_space<hbm>>
    %dma_wait3A_373 = arith.constant 0 : i32
    %dma_wait3A_374 = tpu.memref_slice %arg4[%add3A_352, %dma_wait3A_373] : memref<16384x1024xf32, #tpu.memory_space<hbm>> -> memref<32x1024xf32, #tpu.memory_space<hbm>>
    %dma_wait3A_375 = arith.constant 0 : i32
    %dma_wait3A_376 = arith.constant 0 : i32
    %dma_wait3A_377 = tpu.memref_slice %arg6[%dma_wait3A_366, %dma_wait3A_375, %dma_wait3A_376] : memref<2x32x1024xf32, #tpu.memory_space<vmem>> -> memref<1x32x1024xf32, #tpu.memory_space<vmem>>
    %dma_wait3A_378 = tpu.memref_squeeze %dma_wait3A_377 : memref<1x32x1024xf32, #tpu.memory_space<vmem>> -> memref<32x1024xf32, #tpu.memory_space<vmem>>
    tpu.wait_dma2 semaphore(%arg9 : memref<!tpu.dma_semaphore, #tpu.memory_space<semaphore_mem>>) src(%dma_wait3A_378 : memref<32x1024xf32, #tpu.memory_space<vmem>>) dst(%dma_wait3A_374 : memref<32x1024xf32, #tpu.memory_space<hbm>>)
    %dma_start3A_379 = arith.constant 0 : i32
    %dma_start3A_380 = arith.constant 0 : i32
    %dma_start3A_381 = arith.constant 0 : i32
    %dma_start3A_382 = tpu.memref_slice %arg6[%dma_start3A_379, %dma_start3A_380, %dma_start3A_381] : memref<2x32x1024xf32, #tpu.memory_space<vmem>> -> memref<1x32x1024xf32, #tpu.memory_space<vmem>>
    %dma_start3A_383 = tpu.memref_squeeze %dma_start3A_382 : memref<1x32x1024xf32, #tpu.memory_space<vmem>> -> memref<32x1024xf32, #tpu.memory_space<vmem>>
    %dma_start3A_384 = arith.constant 256 : i32
    %dma_start3A_385 = tpu.memref_slice %arg5[%dma_start3A_384] : memref<512xi32, #tpu.memory_space<vmem>> -> memref<32xi32, #tpu.memory_space<vmem>>
    %dma_start3A_386 = arith.constant 0 : i32
    %dma_start3A_387 = arith.constant 0 : i32
    %dma_start3A_388 = tpu.memref_slice %arg2[%dma_start3A_386, %dma_start3A_387] : memref<4096x1024xf32, #tpu.memory_space<hbm>> -> memref<4096x1024xf32, #tpu.memory_space<hbm>>
    tpu.enqueue_indirect_dma source(%dma_start3A_388 : memref<4096x1024xf32, #tpu.memory_space<hbm>>) target(%dma_start3A_383 : memref<32x1024xf32, #tpu.memory_space<vmem>>) offsets(%dma_start3A_385 : memref<32xi32, #tpu.memory_space<vmem>>) semaphore(%arg7 : memref<!tpu.dma_semaphore, #tpu.memory_space<semaphore_mem>>)
    %dma_wait3A_389 = arith.constant 1 : i32
    %dma_wait3A_390 = arith.constant 0 : i32
    %dma_wait3A_391 = arith.constant 0 : i32
    %dma_wait3A_392 = tpu.memref_slice %arg6[%dma_wait3A_389, %dma_wait3A_390, %dma_wait3A_391] : memref<2x32x1024xf32, #tpu.memory_space<vmem>> -> memref<1x32x1024xf32, #tpu.memory_space<vmem>>
    %dma_wait3A_393 = tpu.memref_squeeze %dma_wait3A_392 : memref<1x32x1024xf32, #tpu.memory_space<vmem>> -> memref<32x1024xf32, #tpu.memory_space<vmem>>
    %dma_wait3A_394 = arith.constant 224 : i32
    %dma_wait3A_395 = tpu.memref_slice %arg5[%dma_wait3A_394] : memref<512xi32, #tpu.memory_space<vmem>> -> memref<32xi32, #tpu.memory_space<vmem>>
    %dma_wait3A_396 = arith.constant 0 : i32
    %dma_wait3A_397 = arith.constant 0 : i32
    %dma_wait3A_398 = tpu.memref_slice %arg2[%dma_wait3A_396, %dma_wait3A_397] : memref<4096x1024xf32, #tpu.memory_space<hbm>> -> memref<4096x1024xf32, #tpu.memory_space<hbm>>
    tpu.wait_indirect_dma semaphore(%arg8 : memref<!tpu.dma_semaphore, #tpu.memory_space<semaphore_mem>>) src(%dma_wait3A_398 : memref<4096x1024xf32, #tpu.memory_space<hbm>>) dst(%dma_wait3A_393 : memref<32x1024xf32, #tpu.memory_space<vmem>>)
    %add3A_399 = arith.constant 224 : i32
    %add3A_400 = arith.addi %mul3A_2, %add3A_399 : i32
    %dma_start3A_401 = arith.constant 1 : i32
    %dma_start3A_402 = arith.constant 0 : i32
    %dma_start3A_403 = arith.constant 0 : i32
    %dma_start3A_404 = tpu.memref_slice %arg6[%dma_start3A_401, %dma_start3A_402, %dma_start3A_403] : memref<2x32x1024xf32, #tpu.memory_space<vmem>> -> memref<1x32x1024xf32, #tpu.memory_space<vmem>>
    %dma_start3A_405 = tpu.memref_squeeze %dma_start3A_404 : memref<1x32x1024xf32, #tpu.memory_space<vmem>> -> memref<32x1024xf32, #tpu.memory_space<vmem>>
    %dma_start3A_406 = arith.constant 0 : i32
    %dma_start3A_407 = tpu.memref_slice %arg4[%add3A_400, %dma_start3A_406] : memref<16384x1024xf32, #tpu.memory_space<hbm>> -> memref<32x1024xf32, #tpu.memory_space<hbm>>
    %dma_start3A_408 = arith.constant 0 : i32
    %dma_start3A_409 = tpu.memref_slice %arg4[%add3A_400, %dma_start3A_408] : memref<16384x1024xf32, #tpu.memory_space<hbm>> -> memref<32x1024xf32, #tpu.memory_space<hbm>>
    %dma_start3A_410 = arith.constant 0 : i32
    %dma_start3A_411 = arith.constant 0 : i32
    %dma_start3A_412 = tpu.memref_slice %arg6[%dma_start3A_401, %dma_start3A_410, %dma_start3A_411] : memref<2x32x1024xf32, #tpu.memory_space<vmem>> -> memref<1x32x1024xf32, #tpu.memory_space<vmem>>
    %dma_start3A_413 = tpu.memref_squeeze %dma_start3A_412 : memref<1x32x1024xf32, #tpu.memory_space<vmem>> -> memref<32x1024xf32, #tpu.memory_space<vmem>>
    tpu.enqueue_dma source(%dma_start3A_413 : memref<32x1024xf32, #tpu.memory_space<vmem>>) target(%dma_start3A_409 : memref<32x1024xf32, #tpu.memory_space<hbm>>) target_semaphore(%arg10 : memref<!tpu.dma_semaphore, #tpu.memory_space<semaphore_mem>>)
    %dma_wait3A_414 = arith.constant 1 : i32
    %dma_wait3A_415 = arith.constant 0 : i32
    %dma_wait3A_416 = arith.constant 0 : i32
    %dma_wait3A_417 = tpu.memref_slice %arg6[%dma_wait3A_414, %dma_wait3A_415, %dma_wait3A_416] : memref<2x32x1024xf32, #tpu.memory_space<vmem>> -> memref<1x32x1024xf32, #tpu.memory_space<vmem>>
    %dma_wait3A_418 = tpu.memref_squeeze %dma_wait3A_417 : memref<1x32x1024xf32, #tpu.memory_space<vmem>> -> memref<32x1024xf32, #tpu.memory_space<vmem>>
    %dma_wait3A_419 = arith.constant 0 : i32
    %dma_wait3A_420 = tpu.memref_slice %arg4[%add3A_400, %dma_wait3A_419] : memref<16384x1024xf32, #tpu.memory_space<hbm>> -> memref<32x1024xf32, #tpu.memory_space<hbm>>
    %dma_wait3A_421 = arith.constant 0 : i32
    %dma_wait3A_422 = tpu.memref_slice %arg4[%add3A_400, %dma_wait3A_421] : memref<16384x1024xf32, #tpu.memory_space<hbm>> -> memref<32x1024xf32, #tpu.memory_space<hbm>>
    %dma_wait3A_423 = arith.constant 0 : i32
    %dma_wait3A_424 = arith.constant 0 : i32
    %dma_wait3A_425 = tpu.memref_slice %arg6[%dma_wait3A_414, %dma_wait3A_423, %dma_wait3A_424] : memref<2x32x1024xf32, #tpu.memory_space<vmem>> -> memref<1x32x1024xf32, #tpu.memory_space<vmem>>
    %dma_wait3A_426 = tpu.memref_squeeze %dma_wait3A_425 : memref<1x32x1024xf32, #tpu.memory_space<vmem>> -> memref<32x1024xf32, #tpu.memory_space<vmem>>
    tpu.wait_dma2 semaphore(%arg10 : memref<!tpu.dma_semaphore, #tpu.memory_space<semaphore_mem>>) src(%dma_wait3A_426 : memref<32x1024xf32, #tpu.memory_space<vmem>>) dst(%dma_wait3A_422 : memref<32x1024xf32, #tpu.memory_space<hbm>>)
    %dma_start3A_427 = arith.constant 1 : i32
    %dma_start3A_428 = arith.constant 0 : i32
    %dma_start3A_429 = arith.constant 0 : i32
    %dma_start3A_430 = tpu.memref_slice %arg6[%dma_start3A_427, %dma_start3A_428, %dma_start3A_429] : memref<2x32x1024xf32, #tpu.memory_space<vmem>> -> memref<1x32x1024xf32, #tpu.memory_space<vmem>>
    %dma_start3A_431 = tpu.memref_squeeze %dma_start3A_430 : memref<1x32x1024xf32, #tpu.memory_space<vmem>> -> memref<32x1024xf32, #tpu.memory_space<vmem>>
    %dma_start3A_432 = arith.constant 288 : i32
    %dma_start3A_433 = tpu.memref_slice %arg5[%dma_start3A_432] : memref<512xi32, #tpu.memory_space<vmem>> -> memref<32xi32, #tpu.memory_space<vmem>>
    %dma_start3A_434 = arith.constant 0 : i32
    %dma_start3A_435 = arith.constant 0 : i32
    %dma_start3A_436 = tpu.memref_slice %arg2[%dma_start3A_434, %dma_start3A_435] : memref<4096x1024xf32, #tpu.memory_space<hbm>> -> memref<4096x1024xf32, #tpu.memory_space<hbm>>
    tpu.enqueue_indirect_dma source(%dma_start3A_436 : memref<4096x1024xf32, #tpu.memory_space<hbm>>) target(%dma_start3A_431 : memref<32x1024xf32, #tpu.memory_space<vmem>>) offsets(%dma_start3A_433 : memref<32xi32, #tpu.memory_space<vmem>>) semaphore(%arg8 : memref<!tpu.dma_semaphore, #tpu.memory_space<semaphore_mem>>)
    %dma_wait3A_437 = arith.constant 0 : i32
    %dma_wait3A_438 = arith.constant 0 : i32
    %dma_wait3A_439 = arith.constant 0 : i32
    %dma_wait3A_440 = tpu.memref_slice %arg6[%dma_wait3A_437, %dma_wait3A_438, %dma_wait3A_439] : memref<2x32x1024xf32, #tpu.memory_space<vmem>> -> memref<1x32x1024xf32, #tpu.memory_space<vmem>>
    %dma_wait3A_441 = tpu.memref_squeeze %dma_wait3A_440 : memref<1x32x1024xf32, #tpu.memory_space<vmem>> -> memref<32x1024xf32, #tpu.memory_space<vmem>>
    %dma_wait3A_442 = arith.constant 256 : i32
    %dma_wait3A_443 = tpu.memref_slice %arg5[%dma_wait3A_442] : memref<512xi32, #tpu.memory_space<vmem>> -> memref<32xi32, #tpu.memory_space<vmem>>
    %dma_wait3A_444 = arith.constant 0 : i32
    %dma_wait3A_445 = arith.constant 0 : i32
    %dma_wait3A_446 = tpu.memref_slice %arg2[%dma_wait3A_444, %dma_wait3A_445] : memref<4096x1024xf32, #tpu.memory_space<hbm>> -> memref<4096x1024xf32, #tpu.memory_space<hbm>>
    tpu.wait_indirect_dma semaphore(%arg7 : memref<!tpu.dma_semaphore, #tpu.memory_space<semaphore_mem>>) src(%dma_wait3A_446 : memref<4096x1024xf32, #tpu.memory_space<hbm>>) dst(%dma_wait3A_441 : memref<32x1024xf32, #tpu.memory_space<vmem>>)
    %add3A_447 = arith.constant 256 : i32
    %add3A_448 = arith.addi %mul3A_2, %add3A_447 : i32
    %dma_start3A_449 = arith.constant 0 : i32
    %dma_start3A_450 = arith.constant 0 : i32
    %dma_start3A_451 = arith.constant 0 : i32
    %dma_start3A_452 = tpu.memref_slice %arg6[%dma_start3A_449, %dma_start3A_450, %dma_start3A_451] : memref<2x32x1024xf32, #tpu.memory_space<vmem>> -> memref<1x32x1024xf32, #tpu.memory_space<vmem>>
    %dma_start3A_453 = tpu.memref_squeeze %dma_start3A_452 : memref<1x32x1024xf32, #tpu.memory_space<vmem>> -> memref<32x1024xf32, #tpu.memory_space<vmem>>
    %dma_start3A_454 = arith.constant 0 : i32
    %dma_start3A_455 = tpu.memref_slice %arg4[%add3A_448, %dma_start3A_454] : memref<16384x1024xf32, #tpu.memory_space<hbm>> -> memref<32x1024xf32, #tpu.memory_space<hbm>>
    %dma_start3A_456 = arith.constant 0 : i32
    %dma_start3A_457 = tpu.memref_slice %arg4[%add3A_448, %dma_start3A_456] : memref<16384x1024xf32, #tpu.memory_space<hbm>> -> memref<32x1024xf32, #tpu.memory_space<hbm>>
    %dma_start3A_458 = arith.constant 0 : i32
    %dma_start3A_459 = arith.constant 0 : i32
    %dma_start3A_460 = tpu.memref_slice %arg6[%dma_start3A_449, %dma_start3A_458, %dma_start3A_459] : memref<2x32x1024xf32, #tpu.memory_space<vmem>> -> memref<1x32x1024xf32, #tpu.memory_space<vmem>>
    %dma_start3A_461 = tpu.memref_squeeze %dma_start3A_460 : memref<1x32x1024xf32, #tpu.memory_space<vmem>> -> memref<32x1024xf32, #tpu.memory_space<vmem>>
    tpu.enqueue_dma source(%dma_start3A_461 : memref<32x1024xf32, #tpu.memory_space<vmem>>) target(%dma_start3A_457 : memref<32x1024xf32, #tpu.memory_space<hbm>>) target_semaphore(%arg9 : memref<!tpu.dma_semaphore, #tpu.memory_space<semaphore_mem>>)
    %dma_wait3A_462 = arith.constant 0 : i32
    %dma_wait3A_463 = arith.constant 0 : i32
    %dma_wait3A_464 = arith.constant 0 : i32
    %dma_wait3A_465 = tpu.memref_slice %arg6[%dma_wait3A_462, %dma_wait3A_463, %dma_wait3A_464] : memref<2x32x1024xf32, #tpu.memory_space<vmem>> -> memref<1x32x1024xf32, #tpu.memory_space<vmem>>
    %dma_wait3A_466 = tpu.memref_squeeze %dma_wait3A_465 : memref<1x32x1024xf32, #tpu.memory_space<vmem>> -> memref<32x1024xf32, #tpu.memory_space<vmem>>
    %dma_wait3A_467 = arith.constant 0 : i32
    %dma_wait3A_468 = tpu.memref_slice %arg4[%add3A_448, %dma_wait3A_467] : memref<16384x1024xf32, #tpu.memory_space<hbm>> -> memref<32x1024xf32, #tpu.memory_space<hbm>>
    %dma_wait3A_469 = arith.constant 0 : i32
    %dma_wait3A_470 = tpu.memref_slice %arg4[%add3A_448, %dma_wait3A_469] : memref<16384x1024xf32, #tpu.memory_space<hbm>> -> memref<32x1024xf32, #tpu.memory_space<hbm>>
    %dma_wait3A_471 = arith.constant 0 : i32
    %dma_wait3A_472 = arith.constant 0 : i32
    %dma_wait3A_473 = tpu.memref_slice %arg6[%dma_wait3A_462, %dma_wait3A_471, %dma_wait3A_472] : memref<2x32x1024xf32, #tpu.memory_space<vmem>> -> memref<1x32x1024xf32, #tpu.memory_space<vmem>>
    %dma_wait3A_474 = tpu.memref_squeeze %dma_wait3A_473 : memref<1x32x1024xf32, #tpu.memory_space<vmem>> -> memref<32x1024xf32, #tpu.memory_space<vmem>>
    tpu.wait_dma2 semaphore(%arg9 : memref<!tpu.dma_semaphore, #tpu.memory_space<semaphore_mem>>) src(%dma_wait3A_474 : memref<32x1024xf32, #tpu.memory_space<vmem>>) dst(%dma_wait3A_470 : memref<32x1024xf32, #tpu.memory_space<hbm>>)
    %dma_start3A_475 = arith.constant 0 : i32
    %dma_start3A_476 = arith.constant 0 : i32
    %dma_start3A_477 = arith.constant 0 : i32
    %dma_start3A_478 = tpu.memref_slice %arg6[%dma_start3A_475, %dma_start3A_476, %dma_start3A_477] : memref<2x32x1024xf32, #tpu.memory_space<vmem>> -> memref<1x32x1024xf32, #tpu.memory_space<vmem>>
    %dma_start3A_479 = tpu.memref_squeeze %dma_start3A_478 : memref<1x32x1024xf32, #tpu.memory_space<vmem>> -> memref<32x1024xf32, #tpu.memory_space<vmem>>
    %dma_start3A_480 = arith.constant 320 : i32
    %dma_start3A_481 = tpu.memref_slice %arg5[%dma_start3A_480] : memref<512xi32, #tpu.memory_space<vmem>> -> memref<32xi32, #tpu.memory_space<vmem>>
    %dma_start3A_482 = arith.constant 0 : i32
    %dma_start3A_483 = arith.constant 0 : i32
    %dma_start3A_484 = tpu.memref_slice %arg2[%dma_start3A_482, %dma_start3A_483] : memref<4096x1024xf32, #tpu.memory_space<hbm>> -> memref<4096x1024xf32, #tpu.memory_space<hbm>>
    tpu.enqueue_indirect_dma source(%dma_start3A_484 : memref<4096x1024xf32, #tpu.memory_space<hbm>>) target(%dma_start3A_479 : memref<32x1024xf32, #tpu.memory_space<vmem>>) offsets(%dma_start3A_481 : memref<32xi32, #tpu.memory_space<vmem>>) semaphore(%arg7 : memref<!tpu.dma_semaphore, #tpu.memory_space<semaphore_mem>>)
    %dma_wait3A_485 = arith.constant 1 : i32
    %dma_wait3A_486 = arith.constant 0 : i32
    %dma_wait3A_487 = arith.constant 0 : i32
    %dma_wait3A_488 = tpu.memref_slice %arg6[%dma_wait3A_485, %dma_wait3A_486, %dma_wait3A_487] : memref<2x32x1024xf32, #tpu.memory_space<vmem>> -> memref<1x32x1024xf32, #tpu.memory_space<vmem>>
    %dma_wait3A_489 = tpu.memref_squeeze %dma_wait3A_488 : memref<1x32x1024xf32, #tpu.memory_space<vmem>> -> memref<32x1024xf32, #tpu.memory_space<vmem>>
    %dma_wait3A_490 = arith.constant 288 : i32
    %dma_wait3A_491 = tpu.memref_slice %arg5[%dma_wait3A_490] : memref<512xi32, #tpu.memory_space<vmem>> -> memref<32xi32, #tpu.memory_space<vmem>>
    %dma_wait3A_492 = arith.constant 0 : i32
    %dma_wait3A_493 = arith.constant 0 : i32
    %dma_wait3A_494 = tpu.memref_slice %arg2[%dma_wait3A_492, %dma_wait3A_493] : memref<4096x1024xf32, #tpu.memory_space<hbm>> -> memref<4096x1024xf32, #tpu.memory_space<hbm>>
    tpu.wait_indirect_dma semaphore(%arg8 : memref<!tpu.dma_semaphore, #tpu.memory_space<semaphore_mem>>) src(%dma_wait3A_494 : memref<4096x1024xf32, #tpu.memory_space<hbm>>) dst(%dma_wait3A_489 : memref<32x1024xf32, #tpu.memory_space<vmem>>)
    %add3A_495 = arith.constant 288 : i32
    %add3A_496 = arith.addi %mul3A_2, %add3A_495 : i32
    %dma_start3A_497 = arith.constant 1 : i32
    %dma_start3A_498 = arith.constant 0 : i32
    %dma_start3A_499 = arith.constant 0 : i32
    %dma_start3A_500 = tpu.memref_slice %arg6[%dma_start3A_497, %dma_start3A_498, %dma_start3A_499] : memref<2x32x1024xf32, #tpu.memory_space<vmem>> -> memref<1x32x1024xf32, #tpu.memory_space<vmem>>
    %dma_start3A_501 = tpu.memref_squeeze %dma_start3A_500 : memref<1x32x1024xf32, #tpu.memory_space<vmem>> -> memref<32x1024xf32, #tpu.memory_space<vmem>>
    %dma_start3A_502 = arith.constant 0 : i32
    %dma_start3A_503 = tpu.memref_slice %arg4[%add3A_496, %dma_start3A_502] : memref<16384x1024xf32, #tpu.memory_space<hbm>> -> memref<32x1024xf32, #tpu.memory_space<hbm>>
    %dma_start3A_504 = arith.constant 0 : i32
    %dma_start3A_505 = tpu.memref_slice %arg4[%add3A_496, %dma_start3A_504] : memref<16384x1024xf32, #tpu.memory_space<hbm>> -> memref<32x1024xf32, #tpu.memory_space<hbm>>
    %dma_start3A_506 = arith.constant 0 : i32
    %dma_start3A_507 = arith.constant 0 : i32
    %dma_start3A_508 = tpu.memref_slice %arg6[%dma_start3A_497, %dma_start3A_506, %dma_start3A_507] : memref<2x32x1024xf32, #tpu.memory_space<vmem>> -> memref<1x32x1024xf32, #tpu.memory_space<vmem>>
    %dma_start3A_509 = tpu.memref_squeeze %dma_start3A_508 : memref<1x32x1024xf32, #tpu.memory_space<vmem>> -> memref<32x1024xf32, #tpu.memory_space<vmem>>
    tpu.enqueue_dma source(%dma_start3A_509 : memref<32x1024xf32, #tpu.memory_space<vmem>>) target(%dma_start3A_505 : memref<32x1024xf32, #tpu.memory_space<hbm>>) target_semaphore(%arg10 : memref<!tpu.dma_semaphore, #tpu.memory_space<semaphore_mem>>)
    %dma_wait3A_510 = arith.constant 1 : i32
    %dma_wait3A_511 = arith.constant 0 : i32
    %dma_wait3A_512 = arith.constant 0 : i32
    %dma_wait3A_513 = tpu.memref_slice %arg6[%dma_wait3A_510, %dma_wait3A_511, %dma_wait3A_512] : memref<2x32x1024xf32, #tpu.memory_space<vmem>> -> memref<1x32x1024xf32, #tpu.memory_space<vmem>>
    %dma_wait3A_514 = tpu.memref_squeeze %dma_wait3A_513 : memref<1x32x1024xf32, #tpu.memory_space<vmem>> -> memref<32x1024xf32, #tpu.memory_space<vmem>>
    %dma_wait3A_515 = arith.constant 0 : i32
    %dma_wait3A_516 = tpu.memref_slice %arg4[%add3A_496, %dma_wait3A_515] : memref<16384x1024xf32, #tpu.memory_space<hbm>> -> memref<32x1024xf32, #tpu.memory_space<hbm>>
    %dma_wait3A_517 = arith.constant 0 : i32
    %dma_wait3A_518 = tpu.memref_slice %arg4[%add3A_496, %dma_wait3A_517] : memref<16384x1024xf32, #tpu.memory_space<hbm>> -> memref<32x1024xf32, #tpu.memory_space<hbm>>
    %dma_wait3A_519 = arith.constant 0 : i32
    %dma_wait3A_520 = arith.constant 0 : i32
    %dma_wait3A_521 = tpu.memref_slice %arg6[%dma_wait3A_510, %dma_wait3A_519, %dma_wait3A_520] : memref<2x32x1024xf32, #tpu.memory_space<vmem>> -> memref<1x32x1024xf32, #tpu.memory_space<vmem>>
    %dma_wait3A_522 = tpu.memref_squeeze %dma_wait3A_521 : memref<1x32x1024xf32, #tpu.memory_space<vmem>> -> memref<32x1024xf32, #tpu.memory_space<vmem>>
    tpu.wait_dma2 semaphore(%arg10 : memref<!tpu.dma_semaphore, #tpu.memory_space<semaphore_mem>>) src(%dma_wait3A_522 : memref<32x1024xf32, #tpu.memory_space<vmem>>) dst(%dma_wait3A_518 : memref<32x1024xf32, #tpu.memory_space<hbm>>)
    %dma_start3A_523 = arith.constant 1 : i32
    %dma_start3A_524 = arith.constant 0 : i32
    %dma_start3A_525 = arith.constant 0 : i32
    %dma_start3A_526 = tpu.memref_slice %arg6[%dma_start3A_523, %dma_start3A_524, %dma_start3A_525] : memref<2x32x1024xf32, #tpu.memory_space<vmem>> -> memref<1x32x1024xf32, #tpu.memory_space<vmem>>
    %dma_start3A_527 = tpu.memref_squeeze %dma_start3A_526 : memref<1x32x1024xf32, #tpu.memory_space<vmem>> -> memref<32x1024xf32, #tpu.memory_space<vmem>>
    %dma_start3A_528 = arith.constant 352 : i32
    %dma_start3A_529 = tpu.memref_slice %arg5[%dma_start3A_528] : memref<512xi32, #tpu.memory_space<vmem>> -> memref<32xi32, #tpu.memory_space<vmem>>
    %dma_start3A_530 = arith.constant 0 : i32
    %dma_start3A_531 = arith.constant 0 : i32
    %dma_start3A_532 = tpu.memref_slice %arg2[%dma_start3A_530, %dma_start3A_531] : memref<4096x1024xf32, #tpu.memory_space<hbm>> -> memref<4096x1024xf32, #tpu.memory_space<hbm>>
    tpu.enqueue_indirect_dma source(%dma_start3A_532 : memref<4096x1024xf32, #tpu.memory_space<hbm>>) target(%dma_start3A_527 : memref<32x1024xf32, #tpu.memory_space<vmem>>) offsets(%dma_start3A_529 : memref<32xi32, #tpu.memory_space<vmem>>) semaphore(%arg8 : memref<!tpu.dma_semaphore, #tpu.memory_space<semaphore_mem>>)
    %dma_wait3A_533 = arith.constant 0 : i32
    %dma_wait3A_534 = arith.constant 0 : i32
    %dma_wait3A_535 = arith.constant 0 : i32
    %dma_wait3A_536 = tpu.memref_slice %arg6[%dma_wait3A_533, %dma_wait3A_534, %dma_wait3A_535] : memref<2x32x1024xf32, #tpu.memory_space<vmem>> -> memref<1x32x1024xf32, #tpu.memory_space<vmem>>
    %dma_wait3A_537 = tpu.memref_squeeze %dma_wait3A_536 : memref<1x32x1024xf32, #tpu.memory_space<vmem>> -> memref<32x1024xf32, #tpu.memory_space<vmem>>
    %dma_wait3A_538 = arith.constant 320 : i32
    %dma_wait3A_539 = tpu.memref_slice %arg5[%dma_wait3A_538] : memref<512xi32, #tpu.memory_space<vmem>> -> memref<32xi32, #tpu.memory_space<vmem>>
    %dma_wait3A_540 = arith.constant 0 : i32
    %dma_wait3A_541 = arith.constant 0 : i32
    %dma_wait3A_542 = tpu.memref_slice %arg2[%dma_wait3A_540, %dma_wait3A_541] : memref<4096x1024xf32, #tpu.memory_space<hbm>> -> memref<4096x1024xf32, #tpu.memory_space<hbm>>
    tpu.wait_indirect_dma semaphore(%arg7 : memref<!tpu.dma_semaphore, #tpu.memory_space<semaphore_mem>>) src(%dma_wait3A_542 : memref<4096x1024xf32, #tpu.memory_space<hbm>>) dst(%dma_wait3A_537 : memref<32x1024xf32, #tpu.memory_space<vmem>>)
    %add3A_543 = arith.constant 320 : i32
    %add3A_544 = arith.addi %mul3A_2, %add3A_543 : i32
    %dma_start3A_545 = arith.constant 0 : i32
    %dma_start3A_546 = arith.constant 0 : i32
    %dma_start3A_547 = arith.constant 0 : i32
    %dma_start3A_548 = tpu.memref_slice %arg6[%dma_start3A_545, %dma_start3A_546, %dma_start3A_547] : memref<2x32x1024xf32, #tpu.memory_space<vmem>> -> memref<1x32x1024xf32, #tpu.memory_space<vmem>>
    %dma_start3A_549 = tpu.memref_squeeze %dma_start3A_548 : memref<1x32x1024xf32, #tpu.memory_space<vmem>> -> memref<32x1024xf32, #tpu.memory_space<vmem>>
    %dma_start3A_550 = arith.constant 0 : i32
    %dma_start3A_551 = tpu.memref_slice %arg4[%add3A_544, %dma_start3A_550] : memref<16384x1024xf32, #tpu.memory_space<hbm>> -> memref<32x1024xf32, #tpu.memory_space<hbm>>
    %dma_start3A_552 = arith.constant 0 : i32
    %dma_start3A_553 = tpu.memref_slice %arg4[%add3A_544, %dma_start3A_552] : memref<16384x1024xf32, #tpu.memory_space<hbm>> -> memref<32x1024xf32, #tpu.memory_space<hbm>>
    %dma_start3A_554 = arith.constant 0 : i32
    %dma_start3A_555 = arith.constant 0 : i32
    %dma_start3A_556 = tpu.memref_slice %arg6[%dma_start3A_545, %dma_start3A_554, %dma_start3A_555] : memref<2x32x1024xf32, #tpu.memory_space<vmem>> -> memref<1x32x1024xf32, #tpu.memory_space<vmem>>
    %dma_start3A_557 = tpu.memref_squeeze %dma_start3A_556 : memref<1x32x1024xf32, #tpu.memory_space<vmem>> -> memref<32x1024xf32, #tpu.memory_space<vmem>>
    tpu.enqueue_dma source(%dma_start3A_557 : memref<32x1024xf32, #tpu.memory_space<vmem>>) target(%dma_start3A_553 : memref<32x1024xf32, #tpu.memory_space<hbm>>) target_semaphore(%arg9 : memref<!tpu.dma_semaphore, #tpu.memory_space<semaphore_mem>>)
    %dma_wait3A_558 = arith.constant 0 : i32
    %dma_wait3A_559 = arith.constant 0 : i32
    %dma_wait3A_560 = arith.constant 0 : i32
    %dma_wait3A_561 = tpu.memref_slice %arg6[%dma_wait3A_558, %dma_wait3A_559, %dma_wait3A_560] : memref<2x32x1024xf32, #tpu.memory_space<vmem>> -> memref<1x32x1024xf32, #tpu.memory_space<vmem>>
    %dma_wait3A_562 = tpu.memref_squeeze %dma_wait3A_561 : memref<1x32x1024xf32, #tpu.memory_space<vmem>> -> memref<32x1024xf32, #tpu.memory_space<vmem>>
    %dma_wait3A_563 = arith.constant 0 : i32
    %dma_wait3A_564 = tpu.memref_slice %arg4[%add3A_544, %dma_wait3A_563] : memref<16384x1024xf32, #tpu.memory_space<hbm>> -> memref<32x1024xf32, #tpu.memory_space<hbm>>
    %dma_wait3A_565 = arith.constant 0 : i32
    %dma_wait3A_566 = tpu.memref_slice %arg4[%add3A_544, %dma_wait3A_565] : memref<16384x1024xf32, #tpu.memory_space<hbm>> -> memref<32x1024xf32, #tpu.memory_space<hbm>>
    %dma_wait3A_567 = arith.constant 0 : i32
    %dma_wait3A_568 = arith.constant 0 : i32
    %dma_wait3A_569 = tpu.memref_slice %arg6[%dma_wait3A_558, %dma_wait3A_567, %dma_wait3A_568] : memref<2x32x1024xf32, #tpu.memory_space<vmem>> -> memref<1x32x1024xf32, #tpu.memory_space<vmem>>
    %dma_wait3A_570 = tpu.memref_squeeze %dma_wait3A_569 : memref<1x32x1024xf32, #tpu.memory_space<vmem>> -> memref<32x1024xf32, #tpu.memory_space<vmem>>
    tpu.wait_dma2 semaphore(%arg9 : memref<!tpu.dma_semaphore, #tpu.memory_space<semaphore_mem>>) src(%dma_wait3A_570 : memref<32x1024xf32, #tpu.memory_space<vmem>>) dst(%dma_wait3A_566 : memref<32x1024xf32, #tpu.memory_space<hbm>>)
    %dma_start3A_571 = arith.constant 0 : i32
    %dma_start3A_572 = arith.constant 0 : i32
    %dma_start3A_573 = arith.constant 0 : i32
    %dma_start3A_574 = tpu.memref_slice %arg6[%dma_start3A_571, %dma_start3A_572, %dma_start3A_573] : memref<2x32x1024xf32, #tpu.memory_space<vmem>> -> memref<1x32x1024xf32, #tpu.memory_space<vmem>>
    %dma_start3A_575 = tpu.memref_squeeze %dma_start3A_574 : memref<1x32x1024xf32, #tpu.memory_space<vmem>> -> memref<32x1024xf32, #tpu.memory_space<vmem>>
    %dma_start3A_576 = arith.constant 384 : i32
    %dma_start3A_577 = tpu.memref_slice %arg5[%dma_start3A_576] : memref<512xi32, #tpu.memory_space<vmem>> -> memref<32xi32, #tpu.memory_space<vmem>>
    %dma_start3A_578 = arith.constant 0 : i32
    %dma_start3A_579 = arith.constant 0 : i32
    %dma_start3A_580 = tpu.memref_slice %arg2[%dma_start3A_578, %dma_start3A_579] : memref<4096x1024xf32, #tpu.memory_space<hbm>> -> memref<4096x1024xf32, #tpu.memory_space<hbm>>
    tpu.enqueue_indirect_dma source(%dma_start3A_580 : memref<4096x1024xf32, #tpu.memory_space<hbm>>) target(%dma_start3A_575 : memref<32x1024xf32, #tpu.memory_space<vmem>>) offsets(%dma_start3A_577 : memref<32xi32, #tpu.memory_space<vmem>>) semaphore(%arg7 : memref<!tpu.dma_semaphore, #tpu.memory_space<semaphore_mem>>)
    %dma_wait3A_581 = arith.constant 1 : i32
    %dma_wait3A_582 = arith.constant 0 : i32
    %dma_wait3A_583 = arith.constant 0 : i32
    %dma_wait3A_584 = tpu.memref_slice %arg6[%dma_wait3A_581, %dma_wait3A_582, %dma_wait3A_583] : memref<2x32x1024xf32, #tpu.memory_space<vmem>> -> memref<1x32x1024xf32, #tpu.memory_space<vmem>>
    %dma_wait3A_585 = tpu.memref_squeeze %dma_wait3A_584 : memref<1x32x1024xf32, #tpu.memory_space<vmem>> -> memref<32x1024xf32, #tpu.memory_space<vmem>>
    %dma_wait3A_586 = arith.constant 352 : i32
    %dma_wait3A_587 = tpu.memref_slice %arg5[%dma_wait3A_586] : memref<512xi32, #tpu.memory_space<vmem>> -> memref<32xi32, #tpu.memory_space<vmem>>
    %dma_wait3A_588 = arith.constant 0 : i32
    %dma_wait3A_589 = arith.constant 0 : i32
    %dma_wait3A_590 = tpu.memref_slice %arg2[%dma_wait3A_588, %dma_wait3A_589] : memref<4096x1024xf32, #tpu.memory_space<hbm>> -> memref<4096x1024xf32, #tpu.memory_space<hbm>>
    tpu.wait_indirect_dma semaphore(%arg8 : memref<!tpu.dma_semaphore, #tpu.memory_space<semaphore_mem>>) src(%dma_wait3A_590 : memref<4096x1024xf32, #tpu.memory_space<hbm>>) dst(%dma_wait3A_585 : memref<32x1024xf32, #tpu.memory_space<vmem>>)
    %add3A_591 = arith.constant 352 : i32
    %add3A_592 = arith.addi %mul3A_2, %add3A_591 : i32
    %dma_start3A_593 = arith.constant 1 : i32
    %dma_start3A_594 = arith.constant 0 : i32
    %dma_start3A_595 = arith.constant 0 : i32
    %dma_start3A_596 = tpu.memref_slice %arg6[%dma_start3A_593, %dma_start3A_594, %dma_start3A_595] : memref<2x32x1024xf32, #tpu.memory_space<vmem>> -> memref<1x32x1024xf32, #tpu.memory_space<vmem>>
    %dma_start3A_597 = tpu.memref_squeeze %dma_start3A_596 : memref<1x32x1024xf32, #tpu.memory_space<vmem>> -> memref<32x1024xf32, #tpu.memory_space<vmem>>
    %dma_start3A_598 = arith.constant 0 : i32
    %dma_start3A_599 = tpu.memref_slice %arg4[%add3A_592, %dma_start3A_598] : memref<16384x1024xf32, #tpu.memory_space<hbm>> -> memref<32x1024xf32, #tpu.memory_space<hbm>>
    %dma_start3A_600 = arith.constant 0 : i32
    %dma_start3A_601 = tpu.memref_slice %arg4[%add3A_592, %dma_start3A_600] : memref<16384x1024xf32, #tpu.memory_space<hbm>> -> memref<32x1024xf32, #tpu.memory_space<hbm>>
    %dma_start3A_602 = arith.constant 0 : i32
    %dma_start3A_603 = arith.constant 0 : i32
    %dma_start3A_604 = tpu.memref_slice %arg6[%dma_start3A_593, %dma_start3A_602, %dma_start3A_603] : memref<2x32x1024xf32, #tpu.memory_space<vmem>> -> memref<1x32x1024xf32, #tpu.memory_space<vmem>>
    %dma_start3A_605 = tpu.memref_squeeze %dma_start3A_604 : memref<1x32x1024xf32, #tpu.memory_space<vmem>> -> memref<32x1024xf32, #tpu.memory_space<vmem>>
    tpu.enqueue_dma source(%dma_start3A_605 : memref<32x1024xf32, #tpu.memory_space<vmem>>) target(%dma_start3A_601 : memref<32x1024xf32, #tpu.memory_space<hbm>>) target_semaphore(%arg10 : memref<!tpu.dma_semaphore, #tpu.memory_space<semaphore_mem>>)
    %dma_wait3A_606 = arith.constant 1 : i32
    %dma_wait3A_607 = arith.constant 0 : i32
    %dma_wait3A_608 = arith.constant 0 : i32
    %dma_wait3A_609 = tpu.memref_slice %arg6[%dma_wait3A_606, %dma_wait3A_607, %dma_wait3A_608] : memref<2x32x1024xf32, #tpu.memory_space<vmem>> -> memref<1x32x1024xf32, #tpu.memory_space<vmem>>
    %dma_wait3A_610 = tpu.memref_squeeze %dma_wait3A_609 : memref<1x32x1024xf32, #tpu.memory_space<vmem>> -> memref<32x1024xf32, #tpu.memory_space<vmem>>
    %dma_wait3A_611 = arith.constant 0 : i32
    %dma_wait3A_612 = tpu.memref_slice %arg4[%add3A_592, %dma_wait3A_611] : memref<16384x1024xf32, #tpu.memory_space<hbm>> -> memref<32x1024xf32, #tpu.memory_space<hbm>>
    %dma_wait3A_613 = arith.constant 0 : i32
    %dma_wait3A_614 = tpu.memref_slice %arg4[%add3A_592, %dma_wait3A_613] : memref<16384x1024xf32, #tpu.memory_space<hbm>> -> memref<32x1024xf32, #tpu.memory_space<hbm>>
    %dma_wait3A_615 = arith.constant 0 : i32
    %dma_wait3A_616 = arith.constant 0 : i32
    %dma_wait3A_617 = tpu.memref_slice %arg6[%dma_wait3A_606, %dma_wait3A_615, %dma_wait3A_616] : memref<2x32x1024xf32, #tpu.memory_space<vmem>> -> memref<1x32x1024xf32, #tpu.memory_space<vmem>>
    %dma_wait3A_618 = tpu.memref_squeeze %dma_wait3A_617 : memref<1x32x1024xf32, #tpu.memory_space<vmem>> -> memref<32x1024xf32, #tpu.memory_space<vmem>>
    tpu.wait_dma2 semaphore(%arg10 : memref<!tpu.dma_semaphore, #tpu.memory_space<semaphore_mem>>) src(%dma_wait3A_618 : memref<32x1024xf32, #tpu.memory_space<vmem>>) dst(%dma_wait3A_614 : memref<32x1024xf32, #tpu.memory_space<hbm>>)
    %dma_start3A_619 = arith.constant 1 : i32
    %dma_start3A_620 = arith.constant 0 : i32
    %dma_start3A_621 = arith.constant 0 : i32
    %dma_start3A_622 = tpu.memref_slice %arg6[%dma_start3A_619, %dma_start3A_620, %dma_start3A_621] : memref<2x32x1024xf32, #tpu.memory_space<vmem>> -> memref<1x32x1024xf32, #tpu.memory_space<vmem>>
    %dma_start3A_623 = tpu.memref_squeeze %dma_start3A_622 : memref<1x32x1024xf32, #tpu.memory_space<vmem>> -> memref<32x1024xf32, #tpu.memory_space<vmem>>
    %dma_start3A_624 = arith.constant 416 : i32
    %dma_start3A_625 = tpu.memref_slice %arg5[%dma_start3A_624] : memref<512xi32, #tpu.memory_space<vmem>> -> memref<32xi32, #tpu.memory_space<vmem>>
    %dma_start3A_626 = arith.constant 0 : i32
    %dma_start3A_627 = arith.constant 0 : i32
    %dma_start3A_628 = tpu.memref_slice %arg2[%dma_start3A_626, %dma_start3A_627] : memref<4096x1024xf32, #tpu.memory_space<hbm>> -> memref<4096x1024xf32, #tpu.memory_space<hbm>>
    tpu.enqueue_indirect_dma source(%dma_start3A_628 : memref<4096x1024xf32, #tpu.memory_space<hbm>>) target(%dma_start3A_623 : memref<32x1024xf32, #tpu.memory_space<vmem>>) offsets(%dma_start3A_625 : memref<32xi32, #tpu.memory_space<vmem>>) semaphore(%arg8 : memref<!tpu.dma_semaphore, #tpu.memory_space<semaphore_mem>>)
    %dma_wait3A_629 = arith.constant 0 : i32
    %dma_wait3A_630 = arith.constant 0 : i32
    %dma_wait3A_631 = arith.constant 0 : i32
    %dma_wait3A_632 = tpu.memref_slice %arg6[%dma_wait3A_629, %dma_wait3A_630, %dma_wait3A_631] : memref<2x32x1024xf32, #tpu.memory_space<vmem>> -> memref<1x32x1024xf32, #tpu.memory_space<vmem>>
    %dma_wait3A_633 = tpu.memref_squeeze %dma_wait3A_632 : memref<1x32x1024xf32, #tpu.memory_space<vmem>> -> memref<32x1024xf32, #tpu.memory_space<vmem>>
    %dma_wait3A_634 = arith.constant 384 : i32
    %dma_wait3A_635 = tpu.memref_slice %arg5[%dma_wait3A_634] : memref<512xi32, #tpu.memory_space<vmem>> -> memref<32xi32, #tpu.memory_space<vmem>>
    %dma_wait3A_636 = arith.constant 0 : i32
    %dma_wait3A_637 = arith.constant 0 : i32
    %dma_wait3A_638 = tpu.memref_slice %arg2[%dma_wait3A_636, %dma_wait3A_637] : memref<4096x1024xf32, #tpu.memory_space<hbm>> -> memref<4096x1024xf32, #tpu.memory_space<hbm>>
    tpu.wait_indirect_dma semaphore(%arg7 : memref<!tpu.dma_semaphore, #tpu.memory_space<semaphore_mem>>) src(%dma_wait3A_638 : memref<4096x1024xf32, #tpu.memory_space<hbm>>) dst(%dma_wait3A_633 : memref<32x1024xf32, #tpu.memory_space<vmem>>)
    %add3A_639 = arith.constant 384 : i32
    %add3A_640 = arith.addi %mul3A_2, %add3A_639 : i32
    %dma_start3A_641 = arith.constant 0 : i32
    %dma_start3A_642 = arith.constant 0 : i32
    %dma_start3A_643 = arith.constant 0 : i32
    %dma_start3A_644 = tpu.memref_slice %arg6[%dma_start3A_641, %dma_start3A_642, %dma_start3A_643] : memref<2x32x1024xf32, #tpu.memory_space<vmem>> -> memref<1x32x1024xf32, #tpu.memory_space<vmem>>
    %dma_start3A_645 = tpu.memref_squeeze %dma_start3A_644 : memref<1x32x1024xf32, #tpu.memory_space<vmem>> -> memref<32x1024xf32, #tpu.memory_space<vmem>>
    %dma_start3A_646 = arith.constant 0 : i32
    %dma_start3A_647 = tpu.memref_slice %arg4[%add3A_640, %dma_start3A_646] : memref<16384x1024xf32, #tpu.memory_space<hbm>> -> memref<32x1024xf32, #tpu.memory_space<hbm>>
    %dma_start3A_648 = arith.constant 0 : i32
    %dma_start3A_649 = tpu.memref_slice %arg4[%add3A_640, %dma_start3A_648] : memref<16384x1024xf32, #tpu.memory_space<hbm>> -> memref<32x1024xf32, #tpu.memory_space<hbm>>
    %dma_start3A_650 = arith.constant 0 : i32
    %dma_start3A_651 = arith.constant 0 : i32
    %dma_start3A_652 = tpu.memref_slice %arg6[%dma_start3A_641, %dma_start3A_650, %dma_start3A_651] : memref<2x32x1024xf32, #tpu.memory_space<vmem>> -> memref<1x32x1024xf32, #tpu.memory_space<vmem>>
    %dma_start3A_653 = tpu.memref_squeeze %dma_start3A_652 : memref<1x32x1024xf32, #tpu.memory_space<vmem>> -> memref<32x1024xf32, #tpu.memory_space<vmem>>
    tpu.enqueue_dma source(%dma_start3A_653 : memref<32x1024xf32, #tpu.memory_space<vmem>>) target(%dma_start3A_649 : memref<32x1024xf32, #tpu.memory_space<hbm>>) target_semaphore(%arg9 : memref<!tpu.dma_semaphore, #tpu.memory_space<semaphore_mem>>)
    %dma_wait3A_654 = arith.constant 0 : i32
    %dma_wait3A_655 = arith.constant 0 : i32
    %dma_wait3A_656 = arith.constant 0 : i32
    %dma_wait3A_657 = tpu.memref_slice %arg6[%dma_wait3A_654, %dma_wait3A_655, %dma_wait3A_656] : memref<2x32x1024xf32, #tpu.memory_space<vmem>> -> memref<1x32x1024xf32, #tpu.memory_space<vmem>>
    %dma_wait3A_658 = tpu.memref_squeeze %dma_wait3A_657 : memref<1x32x1024xf32, #tpu.memory_space<vmem>> -> memref<32x1024xf32, #tpu.memory_space<vmem>>
    %dma_wait3A_659 = arith.constant 0 : i32
    %dma_wait3A_660 = tpu.memref_slice %arg4[%add3A_640, %dma_wait3A_659] : memref<16384x1024xf32, #tpu.memory_space<hbm>> -> memref<32x1024xf32, #tpu.memory_space<hbm>>
    %dma_wait3A_661 = arith.constant 0 : i32
    %dma_wait3A_662 = tpu.memref_slice %arg4[%add3A_640, %dma_wait3A_661] : memref<16384x1024xf32, #tpu.memory_space<hbm>> -> memref<32x1024xf32, #tpu.memory_space<hbm>>
    %dma_wait3A_663 = arith.constant 0 : i32
    %dma_wait3A_664 = arith.constant 0 : i32
    %dma_wait3A_665 = tpu.memref_slice %arg6[%dma_wait3A_654, %dma_wait3A_663, %dma_wait3A_664] : memref<2x32x1024xf32, #tpu.memory_space<vmem>> -> memref<1x32x1024xf32, #tpu.memory_space<vmem>>
    %dma_wait3A_666 = tpu.memref_squeeze %dma_wait3A_665 : memref<1x32x1024xf32, #tpu.memory_space<vmem>> -> memref<32x1024xf32, #tpu.memory_space<vmem>>
    tpu.wait_dma2 semaphore(%arg9 : memref<!tpu.dma_semaphore, #tpu.memory_space<semaphore_mem>>) src(%dma_wait3A_666 : memref<32x1024xf32, #tpu.memory_space<vmem>>) dst(%dma_wait3A_662 : memref<32x1024xf32, #tpu.memory_space<hbm>>)
    %dma_start3A_667 = arith.constant 0 : i32
    %dma_start3A_668 = arith.constant 0 : i32
    %dma_start3A_669 = arith.constant 0 : i32
    %dma_start3A_670 = tpu.memref_slice %arg6[%dma_start3A_667, %dma_start3A_668, %dma_start3A_669] : memref<2x32x1024xf32, #tpu.memory_space<vmem>> -> memref<1x32x1024xf32, #tpu.memory_space<vmem>>
    %dma_start3A_671 = tpu.memref_squeeze %dma_start3A_670 : memref<1x32x1024xf32, #tpu.memory_space<vmem>> -> memref<32x1024xf32, #tpu.memory_space<vmem>>
    %dma_start3A_672 = arith.constant 448 : i32
    %dma_start3A_673 = tpu.memref_slice %arg5[%dma_start3A_672] : memref<512xi32, #tpu.memory_space<vmem>> -> memref<32xi32, #tpu.memory_space<vmem>>
    %dma_start3A_674 = arith.constant 0 : i32
    %dma_start3A_675 = arith.constant 0 : i32
    %dma_start3A_676 = tpu.memref_slice %arg2[%dma_start3A_674, %dma_start3A_675] : memref<4096x1024xf32, #tpu.memory_space<hbm>> -> memref<4096x1024xf32, #tpu.memory_space<hbm>>
    tpu.enqueue_indirect_dma source(%dma_start3A_676 : memref<4096x1024xf32, #tpu.memory_space<hbm>>) target(%dma_start3A_671 : memref<32x1024xf32, #tpu.memory_space<vmem>>) offsets(%dma_start3A_673 : memref<32xi32, #tpu.memory_space<vmem>>) semaphore(%arg7 : memref<!tpu.dma_semaphore, #tpu.memory_space<semaphore_mem>>)
    %dma_wait3A_677 = arith.constant 1 : i32
    %dma_wait3A_678 = arith.constant 0 : i32
    %dma_wait3A_679 = arith.constant 0 : i32
    %dma_wait3A_680 = tpu.memref_slice %arg6[%dma_wait3A_677, %dma_wait3A_678, %dma_wait3A_679] : memref<2x32x1024xf32, #tpu.memory_space<vmem>> -> memref<1x32x1024xf32, #tpu.memory_space<vmem>>
    %dma_wait3A_681 = tpu.memref_squeeze %dma_wait3A_680 : memref<1x32x1024xf32, #tpu.memory_space<vmem>> -> memref<32x1024xf32, #tpu.memory_space<vmem>>
    %dma_wait3A_682 = arith.constant 416 : i32
    %dma_wait3A_683 = tpu.memref_slice %arg5[%dma_wait3A_682] : memref<512xi32, #tpu.memory_space<vmem>> -> memref<32xi32, #tpu.memory_space<vmem>>
    %dma_wait3A_684 = arith.constant 0 : i32
    %dma_wait3A_685 = arith.constant 0 : i32
    %dma_wait3A_686 = tpu.memref_slice %arg2[%dma_wait3A_684, %dma_wait3A_685] : memref<4096x1024xf32, #tpu.memory_space<hbm>> -> memref<4096x1024xf32, #tpu.memory_space<hbm>>
    tpu.wait_indirect_dma semaphore(%arg8 : memref<!tpu.dma_semaphore, #tpu.memory_space<semaphore_mem>>) src(%dma_wait3A_686 : memref<4096x1024xf32, #tpu.memory_space<hbm>>) dst(%dma_wait3A_681 : memref<32x1024xf32, #tpu.memory_space<vmem>>)
    %add3A_687 = arith.constant 416 : i32
    %add3A_688 = arith.addi %mul3A_2, %add3A_687 : i32
    %dma_start3A_689 = arith.constant 1 : i32
    %dma_start3A_690 = arith.constant 0 : i32
    %dma_start3A_691 = arith.constant 0 : i32
    %dma_start3A_692 = tpu.memref_slice %arg6[%dma_start3A_689, %dma_start3A_690, %dma_start3A_691] : memref<2x32x1024xf32, #tpu.memory_space<vmem>> -> memref<1x32x1024xf32, #tpu.memory_space<vmem>>
    %dma_start3A_693 = tpu.memref_squeeze %dma_start3A_692 : memref<1x32x1024xf32, #tpu.memory_space<vmem>> -> memref<32x1024xf32, #tpu.memory_space<vmem>>
    %dma_start3A_694 = arith.constant 0 : i32
    %dma_start3A_695 = tpu.memref_slice %arg4[%add3A_688, %dma_start3A_694] : memref<16384x1024xf32, #tpu.memory_space<hbm>> -> memref<32x1024xf32, #tpu.memory_space<hbm>>
    %dma_start3A_696 = arith.constant 0 : i32
    %dma_start3A_697 = tpu.memref_slice %arg4[%add3A_688, %dma_start3A_696] : memref<16384x1024xf32, #tpu.memory_space<hbm>> -> memref<32x1024xf32, #tpu.memory_space<hbm>>
    %dma_start3A_698 = arith.constant 0 : i32
    %dma_start3A_699 = arith.constant 0 : i32
    %dma_start3A_700 = tpu.memref_slice %arg6[%dma_start3A_689, %dma_start3A_698, %dma_start3A_699] : memref<2x32x1024xf32, #tpu.memory_space<vmem>> -> memref<1x32x1024xf32, #tpu.memory_space<vmem>>
    %dma_start3A_701 = tpu.memref_squeeze %dma_start3A_700 : memref<1x32x1024xf32, #tpu.memory_space<vmem>> -> memref<32x1024xf32, #tpu.memory_space<vmem>>
    tpu.enqueue_dma source(%dma_start3A_701 : memref<32x1024xf32, #tpu.memory_space<vmem>>) target(%dma_start3A_697 : memref<32x1024xf32, #tpu.memory_space<hbm>>) target_semaphore(%arg10 : memref<!tpu.dma_semaphore, #tpu.memory_space<semaphore_mem>>)
    %dma_wait3A_702 = arith.constant 1 : i32
    %dma_wait3A_703 = arith.constant 0 : i32
    %dma_wait3A_704 = arith.constant 0 : i32
    %dma_wait3A_705 = tpu.memref_slice %arg6[%dma_wait3A_702, %dma_wait3A_703, %dma_wait3A_704] : memref<2x32x1024xf32, #tpu.memory_space<vmem>> -> memref<1x32x1024xf32, #tpu.memory_space<vmem>>
    %dma_wait3A_706 = tpu.memref_squeeze %dma_wait3A_705 : memref<1x32x1024xf32, #tpu.memory_space<vmem>> -> memref<32x1024xf32, #tpu.memory_space<vmem>>
    %dma_wait3A_707 = arith.constant 0 : i32
    %dma_wait3A_708 = tpu.memref_slice %arg4[%add3A_688, %dma_wait3A_707] : memref<16384x1024xf32, #tpu.memory_space<hbm>> -> memref<32x1024xf32, #tpu.memory_space<hbm>>
    %dma_wait3A_709 = arith.constant 0 : i32
    %dma_wait3A_710 = tpu.memref_slice %arg4[%add3A_688, %dma_wait3A_709] : memref<16384x1024xf32, #tpu.memory_space<hbm>> -> memref<32x1024xf32, #tpu.memory_space<hbm>>
    %dma_wait3A_711 = arith.constant 0 : i32
    %dma_wait3A_712 = arith.constant 0 : i32
    %dma_wait3A_713 = tpu.memref_slice %arg6[%dma_wait3A_702, %dma_wait3A_711, %dma_wait3A_712] : memref<2x32x1024xf32, #tpu.memory_space<vmem>> -> memref<1x32x1024xf32, #tpu.memory_space<vmem>>
    %dma_wait3A_714 = tpu.memref_squeeze %dma_wait3A_713 : memref<1x32x1024xf32, #tpu.memory_space<vmem>> -> memref<32x1024xf32, #tpu.memory_space<vmem>>
    tpu.wait_dma2 semaphore(%arg10 : memref<!tpu.dma_semaphore, #tpu.memory_space<semaphore_mem>>) src(%dma_wait3A_714 : memref<32x1024xf32, #tpu.memory_space<vmem>>) dst(%dma_wait3A_710 : memref<32x1024xf32, #tpu.memory_space<hbm>>)
    %dma_start3A_715 = arith.constant 1 : i32
    %dma_start3A_716 = arith.constant 0 : i32
    %dma_start3A_717 = arith.constant 0 : i32
    %dma_start3A_718 = tpu.memref_slice %arg6[%dma_start3A_715, %dma_start3A_716, %dma_start3A_717] : memref<2x32x1024xf32, #tpu.memory_space<vmem>> -> memref<1x32x1024xf32, #tpu.memory_space<vmem>>
    %dma_start3A_719 = tpu.memref_squeeze %dma_start3A_718 : memref<1x32x1024xf32, #tpu.memory_space<vmem>> -> memref<32x1024xf32, #tpu.memory_space<vmem>>
    %dma_start3A_720 = arith.constant 480 : i32
    %dma_start3A_721 = tpu.memref_slice %arg5[%dma_start3A_720] : memref<512xi32, #tpu.memory_space<vmem>> -> memref<32xi32, #tpu.memory_space<vmem>>
    %dma_start3A_722 = arith.constant 0 : i32
    %dma_start3A_723 = arith.constant 0 : i32
    %dma_start3A_724 = tpu.memref_slice %arg2[%dma_start3A_722, %dma_start3A_723] : memref<4096x1024xf32, #tpu.memory_space<hbm>> -> memref<4096x1024xf32, #tpu.memory_space<hbm>>
    tpu.enqueue_indirect_dma source(%dma_start3A_724 : memref<4096x1024xf32, #tpu.memory_space<hbm>>) target(%dma_start3A_719 : memref<32x1024xf32, #tpu.memory_space<vmem>>) offsets(%dma_start3A_721 : memref<32xi32, #tpu.memory_space<vmem>>) semaphore(%arg8 : memref<!tpu.dma_semaphore, #tpu.memory_space<semaphore_mem>>)
    %dma_wait3A_725 = arith.constant 0 : i32
    %dma_wait3A_726 = arith.constant 0 : i32
    %dma_wait3A_727 = arith.constant 0 : i32
    %dma_wait3A_728 = tpu.memref_slice %arg6[%dma_wait3A_725, %dma_wait3A_726, %dma_wait3A_727] : memref<2x32x1024xf32, #tpu.memory_space<vmem>> -> memref<1x32x1024xf32, #tpu.memory_space<vmem>>
    %dma_wait3A_729 = tpu.memref_squeeze %dma_wait3A_728 : memref<1x32x1024xf32, #tpu.memory_space<vmem>> -> memref<32x1024xf32, #tpu.memory_space<vmem>>
    %dma_wait3A_730 = arith.constant 448 : i32
    %dma_wait3A_731 = tpu.memref_slice %arg5[%dma_wait3A_730] : memref<512xi32, #tpu.memory_space<vmem>> -> memref<32xi32, #tpu.memory_space<vmem>>
    %dma_wait3A_732 = arith.constant 0 : i32
    %dma_wait3A_733 = arith.constant 0 : i32
    %dma_wait3A_734 = tpu.memref_slice %arg2[%dma_wait3A_732, %dma_wait3A_733] : memref<4096x1024xf32, #tpu.memory_space<hbm>> -> memref<4096x1024xf32, #tpu.memory_space<hbm>>
    tpu.wait_indirect_dma semaphore(%arg7 : memref<!tpu.dma_semaphore, #tpu.memory_space<semaphore_mem>>) src(%dma_wait3A_734 : memref<4096x1024xf32, #tpu.memory_space<hbm>>) dst(%dma_wait3A_729 : memref<32x1024xf32, #tpu.memory_space<vmem>>)
    %add3A_735 = arith.constant 448 : i32
    %add3A_736 = arith.addi %mul3A_2, %add3A_735 : i32
    %dma_start3A_737 = arith.constant 0 : i32
    %dma_start3A_738 = arith.constant 0 : i32
    %dma_start3A_739 = arith.constant 0 : i32
    %dma_start3A_740 = tpu.memref_slice %arg6[%dma_start3A_737, %dma_start3A_738, %dma_start3A_739] : memref<2x32x1024xf32, #tpu.memory_space<vmem>> -> memref<1x32x1024xf32, #tpu.memory_space<vmem>>
    %dma_start3A_741 = tpu.memref_squeeze %dma_start3A_740 : memref<1x32x1024xf32, #tpu.memory_space<vmem>> -> memref<32x1024xf32, #tpu.memory_space<vmem>>
    %dma_start3A_742 = arith.constant 0 : i32
    %dma_start3A_743 = tpu.memref_slice %arg4[%add3A_736, %dma_start3A_742] : memref<16384x1024xf32, #tpu.memory_space<hbm>> -> memref<32x1024xf32, #tpu.memory_space<hbm>>
    %dma_start3A_744 = arith.constant 0 : i32
    %dma_start3A_745 = tpu.memref_slice %arg4[%add3A_736, %dma_start3A_744] : memref<16384x1024xf32, #tpu.memory_space<hbm>> -> memref<32x1024xf32, #tpu.memory_space<hbm>>
    %dma_start3A_746 = arith.constant 0 : i32
    %dma_start3A_747 = arith.constant 0 : i32
    %dma_start3A_748 = tpu.memref_slice %arg6[%dma_start3A_737, %dma_start3A_746, %dma_start3A_747] : memref<2x32x1024xf32, #tpu.memory_space<vmem>> -> memref<1x32x1024xf32, #tpu.memory_space<vmem>>
    %dma_start3A_749 = tpu.memref_squeeze %dma_start3A_748 : memref<1x32x1024xf32, #tpu.memory_space<vmem>> -> memref<32x1024xf32, #tpu.memory_space<vmem>>
    tpu.enqueue_dma source(%dma_start3A_749 : memref<32x1024xf32, #tpu.memory_space<vmem>>) target(%dma_start3A_745 : memref<32x1024xf32, #tpu.memory_space<hbm>>) target_semaphore(%arg9 : memref<!tpu.dma_semaphore, #tpu.memory_space<semaphore_mem>>)
    %dma_wait3A_750 = arith.constant 1 : i32
    %dma_wait3A_751 = arith.constant 0 : i32
    %dma_wait3A_752 = arith.constant 0 : i32
    %dma_wait3A_753 = tpu.memref_slice %arg6[%dma_wait3A_750, %dma_wait3A_751, %dma_wait3A_752] : memref<2x32x1024xf32, #tpu.memory_space<vmem>> -> memref<1x32x1024xf32, #tpu.memory_space<vmem>>
    %dma_wait3A_754 = tpu.memref_squeeze %dma_wait3A_753 : memref<1x32x1024xf32, #tpu.memory_space<vmem>> -> memref<32x1024xf32, #tpu.memory_space<vmem>>
    %dma_wait3A_755 = arith.constant 480 : i32
    %dma_wait3A_756 = tpu.memref_slice %arg5[%dma_wait3A_755] : memref<512xi32, #tpu.memory_space<vmem>> -> memref<32xi32, #tpu.memory_space<vmem>>
    %dma_wait3A_757 = arith.constant 0 : i32
    %dma_wait3A_758 = arith.constant 0 : i32
    %dma_wait3A_759 = tpu.memref_slice %arg2[%dma_wait3A_757, %dma_wait3A_758] : memref<4096x1024xf32, #tpu.memory_space<hbm>> -> memref<4096x1024xf32, #tpu.memory_space<hbm>>
    tpu.wait_indirect_dma semaphore(%arg8 : memref<!tpu.dma_semaphore, #tpu.memory_space<semaphore_mem>>) src(%dma_wait3A_759 : memref<4096x1024xf32, #tpu.memory_space<hbm>>) dst(%dma_wait3A_754 : memref<32x1024xf32, #tpu.memory_space<vmem>>)
    %add3A_760 = arith.constant 480 : i32
    %add3A_761 = arith.addi %mul3A_2, %add3A_760 : i32
    %dma_start3A_762 = arith.constant 1 : i32
    %dma_start3A_763 = arith.constant 0 : i32
    %dma_start3A_764 = arith.constant 0 : i32
    %dma_start3A_765 = tpu.memref_slice %arg6[%dma_start3A_762, %dma_start3A_763, %dma_start3A_764] : memref<2x32x1024xf32, #tpu.memory_space<vmem>> -> memref<1x32x1024xf32, #tpu.memory_space<vmem>>
    %dma_start3A_766 = tpu.memref_squeeze %dma_start3A_765 : memref<1x32x1024xf32, #tpu.memory_space<vmem>> -> memref<32x1024xf32, #tpu.memory_space<vmem>>
    %dma_start3A_767 = arith.constant 0 : i32
    %dma_start3A_768 = tpu.memref_slice %arg4[%add3A_761, %dma_start3A_767] : memref<16384x1024xf32, #tpu.memory_space<hbm>> -> memref<32x1024xf32, #tpu.memory_space<hbm>>
    %dma_start3A_769 = arith.constant 0 : i32
    %dma_start3A_770 = tpu.memref_slice %arg4[%add3A_761, %dma_start3A_769] : memref<16384x1024xf32, #tpu.memory_space<hbm>> -> memref<32x1024xf32, #tpu.memory_space<hbm>>
    %dma_start3A_771 = arith.constant 0 : i32
    %dma_start3A_772 = arith.constant 0 : i32
    %dma_start3A_773 = tpu.memref_slice %arg6[%dma_start3A_762, %dma_start3A_771, %dma_start3A_772] : memref<2x32x1024xf32, #tpu.memory_space<vmem>> -> memref<1x32x1024xf32, #tpu.memory_space<vmem>>
    %dma_start3A_774 = tpu.memref_squeeze %dma_start3A_773 : memref<1x32x1024xf32, #tpu.memory_space<vmem>> -> memref<32x1024xf32, #tpu.memory_space<vmem>>
    tpu.enqueue_dma source(%dma_start3A_774 : memref<32x1024xf32, #tpu.memory_space<vmem>>) target(%dma_start3A_770 : memref<32x1024xf32, #tpu.memory_space<hbm>>) target_semaphore(%arg10 : memref<!tpu.dma_semaphore, #tpu.memory_space<semaphore_mem>>)
    %dma_wait3A_775 = arith.constant 0 : i32
    %dma_wait3A_776 = arith.constant 0 : i32
    %dma_wait3A_777 = arith.constant 0 : i32
    %dma_wait3A_778 = tpu.memref_slice %arg6[%dma_wait3A_775, %dma_wait3A_776, %dma_wait3A_777] : memref<2x32x1024xf32, #tpu.memory_space<vmem>> -> memref<1x32x1024xf32, #tpu.memory_space<vmem>>
    %dma_wait3A_779 = tpu.memref_squeeze %dma_wait3A_778 : memref<1x32x1024xf32, #tpu.memory_space<vmem>> -> memref<32x1024xf32, #tpu.memory_space<vmem>>
    %dma_wait3A_780 = arith.constant 0 : i32
    %dma_wait3A_781 = tpu.memref_slice %arg4[%add3A_736, %dma_wait3A_780] : memref<16384x1024xf32, #tpu.memory_space<hbm>> -> memref<32x1024xf32, #tpu.memory_space<hbm>>
    %dma_wait3A_782 = arith.constant 0 : i32
    %dma_wait3A_783 = tpu.memref_slice %arg4[%add3A_736, %dma_wait3A_782] : memref<16384x1024xf32, #tpu.memory_space<hbm>> -> memref<32x1024xf32, #tpu.memory_space<hbm>>
    %dma_wait3A_784 = arith.constant 0 : i32
    %dma_wait3A_785 = arith.constant 0 : i32
    %dma_wait3A_786 = tpu.memref_slice %arg6[%dma_wait3A_775, %dma_wait3A_784, %dma_wait3A_785] : memref<2x32x1024xf32, #tpu.memory_space<vmem>> -> memref<1x32x1024xf32, #tpu.memory_space<vmem>>
    %dma_wait3A_787 = tpu.memref_squeeze %dma_wait3A_786 : memref<1x32x1024xf32, #tpu.memory_space<vmem>> -> memref<32x1024xf32, #tpu.memory_space<vmem>>
    tpu.wait_dma2 semaphore(%arg9 : memref<!tpu.dma_semaphore, #tpu.memory_space<semaphore_mem>>) src(%dma_wait3A_787 : memref<32x1024xf32, #tpu.memory_space<vmem>>) dst(%dma_wait3A_783 : memref<32x1024xf32, #tpu.memory_space<hbm>>)
    %dma_wait3A_788 = arith.constant 1 : i32
    %dma_wait3A_789 = arith.constant 0 : i32
    %dma_wait3A_790 = arith.constant 0 : i32
    %dma_wait3A_791 = tpu.memref_slice %arg6[%dma_wait3A_788, %dma_wait3A_789, %dma_wait3A_790] : memref<2x32x1024xf32, #tpu.memory_space<vmem>> -> memref<1x32x1024xf32, #tpu.memory_space<vmem>>
    %dma_wait3A_792 = tpu.memref_squeeze %dma_wait3A_791 : memref<1x32x1024xf32, #tpu.memory_space<vmem>> -> memref<32x1024xf32, #tpu.memory_space<vmem>>
    %dma_wait3A_793 = arith.constant 0 : i32
    %dma_wait3A_794 = tpu.memref_slice %arg4[%add3A_761, %dma_wait3A_793] : memref<16384x1024xf32, #tpu.memory_space<hbm>> -> memref<32x1024xf32, #tpu.memory_space<hbm>>
    %dma_wait3A_795 = arith.constant 0 : i32
    %dma_wait3A_796 = tpu.memref_slice %arg4[%add3A_761, %dma_wait3A_795] : memref<16384x1024xf32, #tpu.memory_space<hbm>> -> memref<32x1024xf32, #tpu.memory_space<hbm>>
    %dma_wait3A_797 = arith.constant 0 : i32
    %dma_wait3A_798 = arith.constant 0 : i32
    %dma_wait3A_799 = tpu.memref_slice %arg6[%dma_wait3A_788, %dma_wait3A_797, %dma_wait3A_798] : memref<2x32x1024xf32, #tpu.memory_space<vmem>> -> memref<1x32x1024xf32, #tpu.memory_space<vmem>>
    %dma_wait3A_800 = tpu.memref_squeeze %dma_wait3A_799 : memref<1x32x1024xf32, #tpu.memory_space<vmem>> -> memref<32x1024xf32, #tpu.memory_space<vmem>>
    tpu.wait_dma2 semaphore(%arg10 : memref<!tpu.dma_semaphore, #tpu.memory_space<semaphore_mem>>) src(%dma_wait3A_800 : memref<32x1024xf32, #tpu.memory_space<vmem>>) dst(%dma_wait3A_796 : memref<32x1024xf32, #tpu.memory_space<hbm>>)
    return
  }
}

</mosaic_0001>

<sc_bundles>
// kernel: kernel.3.cloned.1.call-start
scs
__scs_entry_jumppad:
0x0: {  	(pc) =	sbr.rel $0x88, $3  }
0x1: {  	(tag) =	ssettag $0x0;
	lr =	simm.s32 $0x1  }
0x2: {  	[smem:$0x3F9F] =	sst lr;
	_ =	strace $0xD0000000  }
0x3: {  	_ = 	snop  }
0x4: {  	_ = 	snop  }
0x5: {  	_ = 	snop  }
0x6: {  	_ = 	snop  }
0x7: {  	_ = 	snop  }
__scs_overlays_trampoline_lowered:
0x8: {  	[smem:$0x3FAE] =	sst s0  }
0x9: {  	[smem:$0x3FAF] =	sst s1  }
0xa: {  	[smem:$0x3FB0] =	sst s2  }
0xb: {  	[smem:$0x3FB1] =	sst s3  }
0xc: {  	[smem:$0x3FB2] =	sst s4  }
0xd: {  	[smem:$0x3FB3] =	sst s5  }
0xe: {  	[smem:$0x3FB4] =	sst s6  }
0xf: {  	[smem:$0x3FB5] =	sst s7  }
0x10: {  	[smem:$0x3FB6] =	sst s8  }
0x11: {  	[smem:$0x3FB7] =	sst s9;
	s0 =	simm.s32 @!p0 $0x0  }
0x12: {  	s1 =	sld [smem:$0x3F9D];
	s0 =	simm.s32 @p0 $0x1  }
0x13: {  	[smem:$0x3FB8] =	sst s0;
	s0 =	simm.s32 @!p1 $0x0  }
0x14: {  	s2 =	sld [smem:$0x3F9C];
	s0 =	simm.s32 @p1 $0x1  }
0x15: {  	[smem:$0x3FB9] =	sst s0;
	s0 =	simm.s32 @!p2 $0x0  }
0x16: {  	s3 =	sld [smem:$0x3FDB];
	s0 =	simm.s32 @p2 $0x1  }
0x17: {  	s4 =	simm.s32 $0x1BF5;
	[smem:$0x3FBB] =	sst s0  }
0x18: {  	s0 =	sld [smem:$0x3F9E];
	_ =	swait.ge [sflag:s4], $0x0  }
0x19: {  	s7 =	sld [smem:$0x3F9F]  }
0x1a: {  	s8 =	sadd.s32 $0xFFFFE003, lr  }
0x1b: {  	s9 =	sadd.s32 $0xFFFFFEF7, lr;
	s5 =	simm.s32 $0xFFFFFFFF;
	p2 =	slt.u32 s8, $0xFFFFF086  }
0x1c: {  	p1 =	slt.u32 s9, $0xF7A;
	s5 =	simm.s32 @!p2 $0x0  }
0x1d: {  	s5 =	simm.s32 @p1 $0x1;
	p0 =	seq.s32 s7, s2  }
0x1e: {  	s7 =	smul.u32 @!p0 $0xF7A, s2;
	p2 =	seq.s32 @!p0 s5, $0x0  }
0x1f: {  	s9 =	smul.u32 $0xF7A, s1;
	s8 =	simm.s32 @!p0 $0x1BF5;
	p2 =	por !p2, p0  }
0x20: {  	[sflag:s8] =	ssyncset.s32 @!p0 $0xFFFFF086;
	s6 =	sadd.s32 @!p0 s3, s7;
	s7 =	simm.s32 @!p0 $0x108  }
0x21: {  	s3 =	sadd.s32 s3, s9;
	s6 =	sadd.s32 @!p0 $0x88, s6;
	s7 =	simm.s32 @p2 $0x1082  }
0x22: {  	[simem:s7], [sflag:s8] =	dma.local @!p0 [hbm:s6], $0xF7A  }
0x23: {  	s9 =	sor.u32 $0xD0000000, s2;
	s6 =	simm.s32 $0x108;
	_ =	swait.ge @!p0 [sflag:s8], $0x0  }
0x24: {  	s3 =	sadd.s32 $0x88, s3;
	s6 =	simm.s32 @!p1 $0x1082;
	[sflag:s4] =	ssyncset.s32 $0xFFFFF086  }
0x25: {  	[simem:s6], [sflag:s4] =	dma.local [hbm:s3], $0xF7A  }
0x26: {  	[smem:$0x3F9F] =	sst s1;
	(tag) =	ssettag s2;
	_ =	strace s9  }
0x27: {  	s1 =	sld [smem:$0x3FAF]  }
0x28: {  	s2 =	sld [smem:$0x3FB0]  }
0x29: {  	s4 =	sld [smem:$0x3FB2]  }
0x2a: {  	p0 =	seq.s32 s5, $0x0;
	s5 =	sld [smem:$0x3FB3]  }
0x2b: {  	s6 =	sld [smem:$0x3FB4]  }
0x2c: {  	s7 =	sld [smem:$0x3FB5]  }
0x2d: {  	s3 =	simm.s32 $0x108;
	s8 =	sld [smem:$0x3FB6]  }
0x2e: {  	s3 =	simm.s32 @!p0 $0x1082;
	s9 =	sld [smem:$0x3FB7]  }
0x2f: {  	lr =	sadd.s32 s0, s3;
	s0 =	sld [smem:$0x3FAE]  }
0x30: {  	s3 =	sld [smem:$0x3FB1]  }
0x31: {  	[smem:$0x3FBA] =	sst s10  }
0x32: {  	s10 =	sld [smem:$0x3FB8];
	_ =	sdelay $0x3  }
0x33: {  	p0 =	seq.s32 s10, $0x1;
	s10 =	sld [smem:$0x3FBA];
	_ =	sdelay $0x3  }
0x34: {  	[smem:$0x3FBA] =	sst s10  }
0x35: {  	s10 =	sld [smem:$0x3FB9];
	_ =	sdelay $0x3  }
0x36: {  	p1 =	seq.s32 s10, $0x1;
	s10 =	sld [smem:$0x3FBA];
	_ =	sdelay $0x3  }
0x37: {  	[smem:$0x3FBA] =	sst s10  }
0x38: {  	s10 =	sld [smem:$0x3FBB]  }
0x39: {  	_ = 	snop;
	(pc) =	sbr.ind lr, $3  }
0x3a: {  	_ = 	snop  }
0x3b: {  	_ = 	snop  }
0x3c: {  	p2 =	seq.s32 s10, $0x1;
	s10 =	sld [smem:$0x3FBA]  }
0x3d: {  	_ =	shalt  }
0x3e: {  	_ =	shalt  }
0x3f: {  	_ =	shalt  }
0x40: {  	_ =	shalt  }
0x41: {  	_ =	shalt  }
0x42: {  	_ =	shalt  }
0x43: {  	_ =	shalt  }
0x44: {  	_ =	shalt  }
0x45: {  	_ =	shalt  }
0x46: {  	_ =	shalt  }
0x47: {  	_ =	shalt  }
0x48: {  	_ =	shalt  }
0x49: {  	_ =	shalt  }
0x4a: {  	_ =	shalt  }
0x4b: {  	_ =	shalt  }
0x4c: {  	_ =	shalt  }
0x4d: {  	_ =	shalt  }
0x4e: {  	_ =	shalt  }
0x4f: {  	_ =	shalt  }
0x50: {  	_ =	shalt  }
0x51: {  	_ =	shalt  }
0x52: {  	_ =	shalt  }
0x53: {  	_ =	shalt  }
0x54: {  	_ =	shalt  }
0x55: {  	_ =	shalt  }
0x56: {  	_ =	shalt  }
0x57: {  	_ =	shalt  }
0x58: {  	_ =	shalt  }
0x59: {  	_ =	shalt  }
0x5a: {  	_ =	shalt  }
0x5b: {  	_ =	shalt  }
0x5c: {  	_ =	shalt  }
0x5d: {  	_ =	shalt  }
0x5e: {  	_ =	shalt  }
0x5f: {  	_ =	shalt  }
0x60: {  	_ =	shalt  }
0x61: {  	_ =	shalt  }
0x62: {  	_ =	shalt  }
0x63: {  	_ =	shalt  }
0x64: {  	_ =	shalt  }
0x65: {  	_ =	shalt  }
0x66: {  	_ =	shalt  }
0x67: {  	_ =	shalt  }
0x68: {  	_ =	shalt  }
0x69: {  	_ =	shalt  }
0x6a: {  	_ =	shalt  }
0x6b: {  	_ =	shalt  }
0x6c: {  	_ =	shalt  }
0x6d: {  	_ =	shalt  }
0x6e: {  	_ =	shalt  }
0x6f: {  	_ =	shalt  }
0x70: {  	_ =	shalt  }
0x71: {  	_ =	shalt  }
0x72: {  	_ =	shalt  }
0x73: {  	_ =	shalt  }
0x74: {  	_ =	shalt  }
0x75: {  	_ =	shalt  }
0x76: {  	_ =	shalt  }
0x77: {  	_ =	shalt  }
0x78: {  	_ =	shalt  }
0x79: {  	_ =	shalt  }
0x7a: {  	_ =	shalt  }
0x7b: {  	_ =	shalt  }
0x7c: {  	_ =	shalt  }
0x7d: {  	_ =	shalt  }
0x7e: {  	_ =	shalt  }
0x7f: {  	_ =	shalt  }
0x80: {  	_ =	shalt  }
0x81: {  	_ =	shalt  }
0x82: {  	_ =	shalt  }
0x83: {  	_ =	shalt  }
0x84: {  	_ =	shalt  }
0x85: {  	_ =	shalt  }
0x86: {  	_ =	shalt  }
0x87: {  	_ =	shalt  }
.Lfunc_end0:
.L_simem_size_0:
called_computation_lowered:
.L_overlay_start_0:
0x88: {  	s2 =	sld [smem:$0x3FD9]  }
0x89: {  	s3 =	sld [smem:$0x3FFE];
	_ =	sdelay $0x1  }
0x8a: {  	s1 =	srdreg.scid  }
0x8b: {  	s0 =	sand.u32 $0x1, s1  }
0x8c: {  	s18 =	sshll.u32 s0, $0xA;
	s2 =	sadd.s32 s3, s2  }
0x8d: {  	s2 =	sadd.s32 s2, s18  }
0x8e: {  	[smem:$0x3FC6] =	sst s2  }
0x8f: {  	_ = 	snop  }
0x90: {  	s2 =	sld [smem:$0x3FC9]  }
0x91: {  	s19 =	sld [smem:$0x3FC8]  }
0x92: {  	s4 =	sld [smem:$0x3FD0];
	(tm) =	ssettm $0x1  }
0x93: {  	s5 =	sld [smem:$0x3FFB];
	_ =	sdelay $0x3  }
0x94: {  	_ =	strace s5  }
0x95: {  	s5 =	sld [smem:$0x3FFC];
	_ =	sdelay $0x3  }
0x96: {  	_ =	strace s5  }
0x97: {  	s5 =	sld [smem:$0x3FFD];
	_ =	sdelay $0x3  }
0x98: {  	_ =	strace s5  }
0x99: {  	_ =	strace $0x8FFFFFFF  }
0x9a: {  	s20 =	sld [smem:$0x3FDB];
	_ =	sdelay $0x1  }
0x9b: {  	s6 =	simm.s32 $_scs_section_size  }
0x9c: {  	s7 =	simm.s32 $_size__tile_overlayer_lowered;
	s8 =	simm.s32 $_tile_overlayer_lowered  }
0x9d: {  	s23 =	simm.s32 $0x1BFF;
	s22 =	sshll.u32 s8, $0x1;
	s5 =	sadd.s32 s6, s20  }
0x9e: {  	s9 =	simm.s32 $0x0;
	s21 =	sshll.u32 s7, $0x1;
	s7 =	sadd.s32 s22, s5  }
0x9f: {  	[timem:s9], [sflag:s23] =	dma.local [hbm:s7], s21  }
0xa0: {  	_ =	swait.ge [sflag:s23], s21  }
0xa1: {  	s6 =	ssub.s32 $0x0, s21;
	[sflag:s23] =	ssyncset.done $0x0  }
0xa2: {  	[sflag:s23] =	ssyncadd.s32 s6;
	_ =	sdelay $0x1  }
0xa3: {  	s24 =	simm.s32 $0x1B8B  }
0xa4: {  	_ =	swait.ge [sflag:s24], $0x1  }
0xa5: {  	[sflag:s24] =	ssyncset.done $0x0  }
0xa6: {  	s25 =	simm.s32 $0x1B8E;
	[sflag:s24] =	ssyncadd.s32 $0xFFFFFFFF  }
0xa7: {  	s26 =	simm.s32 $execute0_lowered;
	[smem:$0x3FD2] =	sst s25  }
0xa8: {  	s6 =	sshll.u32 s26, $0x1;
	_ =	strace $0x80000046;
	[dreg:$0x1] =	wrdreg $0xFFFFFFFF  }
0xa9: {  	s28 =	simm.s32 $_size_execute0_lowered;
	s5 =	sadd.s32 s5, s6;
	[dreg:$0x0] =	wrdreg $0x0  }
0xaa: {  	s6 =	sshll.u32 s28, $0x1;
	[dreg:$0x2] =	wrdreg s5  }
0xab: {  	[dreg:$0x3] =	wrdreg s6  }
0xac: {  	[dreg:$0x4] =	wrdreg $0xC0  }
0xad: {  	_ =	task [dreg:s9], $0x5FFFF  }
0xae: {  	[dreg:$0x1] =	wrdreg $0xFFFFFFFF  }
0xaf: {  	[dreg:$0x0] =	wrdreg $0x60  }
0xb0: {  	[dreg:$0x2] =	wrdreg s19  }
0xb1: {  	[dreg:$0x3] =	wrdreg s2  }
0xb2: {  	[dreg:$0x4] =	wrdreg s4  }
0xb3: {  	[dreg:$0x5] =	wrdreg $0x9  }
0xb4: {  	_ =	task.clear_ibuf [dreg:s9], $0x6FFFF;
	_ =	strace $0x90000046  }
0xb5: {  	s29 =	simm.s32 $0x9;
	_ =	strace $0x80000048  }
0xb6: {  	_ =	swait.ge [sflag:s29], $0x1  }
0xb7: {  	[sflag:s29] =	ssyncadd.s32 $0xFFFFFFFF  }
0xb8: {  	_ =	strace $0x90000048  }
0xb9: {  	_ =	sfence  }
0xba: {  	s30 =	sld [smem:$0x0];
	_ =	sdelay $0x2  }
0xbb: {  	s31 =	sshll.u32 s1, $0xD;
	s1 =	sshrl.u32 s1, $0x2  }
0xbc: {  	s3 =	sand.u32 $0x4000, s31;
	s1 =	sadd.s32 s1, s30  }
0xbd: {  	s0 =	sor.u32 s3, s0;
	s1 =	sshll.u32 s1, $0x11  }
0xbe: {  	s0 =	sor.u32 s1, s0  }
0xbf: {  	s0 =	sadd.s32 $0x8F2B, s0  }
0xc0: {  	[sflag:s0] =	ssyncadd.remote.s32 $0x1  }
0xc1: {  	_ =	sfence.sel $0xFFFF  }
0xc2: {  	[dreg:$0x0] =	wrdreg $0xFFFFFFFF;
	(pc) =	sbr.abs _section_cstart, $3  }
0xc3: {  	[dreg:$0x1] =	wrdreg $0xFFFFFFFF  }
0xc4: {  	_ =	task.clear_ibuf [dreg:s9], $0x2FFFF;
	_ =	strace $0x9FFFFFFF  }
0xc5: {  	(tm) =	ssettm $0x7FFFFFFF  }
tec
execute0_lowered:
.L_overlay_start_1:
0x0: {  	(tag) =	ssettag $0x1  }
0x1: {  	s2 =	rddreg [dreg:$0x0]  }
0x2: {  	s0 =	rddreg [dreg:$0x1]  }
0x3: {  	s1 =	rddreg [dreg:$0x2]  }
0x4: {  	s3 =	srdreg.scid;
	s6 =	stileid.u32  }
0x5: {  	s31 =	simm.s32 $0x80;
	s4 =	sand.u32 $0x1, s3;
	s5 =	sshll.u32 s6, $0x1  }
0x6: {  	s3 =	simm.s32 $0x0;
	s6 =	sshll.u32 s6, $0x2;
	s5 =	sor.u32 s4, s5  }
0x7: {  	[smem:$0x7FF] =	sst s3;
	s6 =	sand.u32 $0x30, s6;
	s7 =	sshll.u32 s5, $0x8  }
0x8: {  	s0 =	sadd.s32 s0, s6;
	s5 =	sshll.u32 s5, $0x10;
	_ =	strace $0x80000047  }
0x9: {  	[dreg:$0x14] =	wrdreg s31;
	s7 =	sand.u32 $0x700, s7;
	s12 =	sadd.s32 s1, s5  }
0xa: {  	s0 =	sadd.s32 s7, s0;
	[dreg:$0x15] =	wrdreg s12  }
0xb: {  	s13 =	sadd.s32 $0x1000, s12;
	[dreg:$0x4] =	wrdreg s0  }
0xc: {  	s14 =	sadd.s32 $0x2000, s12;
	[dreg:$0x5] =	wrdreg s13  }
0xd: {  	s15 =	sadd.s32 $0x3000, s12;
	[dreg:$0x6] =	wrdreg s14  }
0xe: {  	s16 =	sadd.s32 $0x4000, s12;
	[dreg:$0x7] =	wrdreg s15  }
0xf: {  	s17 =	sadd.s32 $0x5000, s12;
	[dreg:$0x8] =	wrdreg s16  }
0x10: {  	s18 =	sadd.s32 $0x6000, s12;
	[dreg:$0x9] =	wrdreg s17  }
0x11: {  	s19 =	sadd.s32 $0x7000, s12;
	[dreg:$0xa] =	wrdreg s18  }
0x12: {  	s9 =	simm.s32 $0x200;
	s20 =	sadd.s32 $0x8000, s12;
	[dreg:$0xb] =	wrdreg s19  }
0x13: {  	s23 =	ssub.s32 $0x2, s4;
	s21 =	sadd.s32 $0x9000, s12;
	[dreg:$0xc] =	wrdreg s20  }
0x14: {  	s4 =	sshrl.u32 s23, $0x1;
	s22 =	sadd.s32 $0xA000, s12;
	[dreg:$0xd] =	wrdreg s21  }
0x15: {  	s6 =	sadd.s32 $0x200, s2;
	s24 =	sadd.s32 $0xB000, s12;
	[dreg:$0xe] =	wrdreg s22  }
0x16: {  	s1 =	ssub.s32 s23, s4;
	s25 =	sadd.s32 $0xC000, s12;
	[dreg:$0xf] =	wrdreg s24  }
0x17: {  	s5 =	sadd.s32 $0x100, s2;
	s26 =	sadd.s32 $0xD000, s12;
	[dreg:$0x10] =	wrdreg s25  }
0x18: {  	s29 =	sadd.s32 $0xE000, s12;
	s30 =	sadd.s32 $0xF000, s12;
	[dreg:$0x11] =	wrdreg s26  }
0x19: {  	v2 =	vlaneseq.u32;
	s7 =	sadd.s32 $0x300, s2;
	s28 =	smax.u32 s1, $0x1;
	[dreg:$0x12] =	wrdreg s29  }
0x1a: {  	vm0 =	vmmov $0xffff;
	v1 =	vshrl.u32 v2, $0x3;
	[dreg:$0x13] =	wrdreg s30;
	s26 =	simm.s32 $0x8200;
	s18 =	simm.s32 $0x1  }
0x1b: {  	v0 =	vand.u32 $0x7, v2;
	v2 =	vor.u32 $0x8, v2;
	v1 =	vmul.u32 $0x8, v1;
	s19 =	simm.s32 $0x3;
	s20 =	simm.s32 $0x2;
	s21 =	simm.s32 $0x4  }
.LBB2_1:
0x1c: {  	s22 =	rddreg [dreg:$0x4]  }
0x1d: {  	s23 =	rddreg [dreg:$0x14];
	s1 =	simm.s32 $0x5  }
0x1e: {  	[tilespmem:s3], [sflag:$0x5] =	stream.strided.gather [hbm4b:s22+s23], $0x200, s9, s23, $0x38;
	[tilespmem:$0x10200] =	vst v63  }
0x1f: {  	_ =	swait.ge [sflag:s1], $0x200  }
0x20: {  	[sflag:s1] =	ssyncset.done $0x0  }
0x21: {  	[sflag:s1] =	ssyncadd.s32 $0xFFFFFE00  }
0x22: {  	v3 =	vld [tilespmem:$0x0];
	_ =	sdelay $0x4  }
0x23: {  	v4 =	vshll.u32 v3, $0x3  }
0x24: {  	v3 =	vand.u32 $0x7, v3;
	v4 =	vand.u32 $0xFFFFFFC0, v4  }
0x25: {  	v3 =	vor.u32 v3, v4  }
0x26: {  	v4 =	vperm.xlane v3, v0;
	_ =	sdelay $0x1  }
0x27: {  	v4 =	vadd.s32 v1, v4;
	_ =	sdelay $0x4  }
0x28: {  	[tilespmem:s9], [sflag:$0x1] =	stream.indirect_vreg.gather [hbm4b:s2+s3], $0x80, v4, vm0, $0xb8;
	[tilespmem:$0x10200] =	vst v63  }
0x29: {  	s0 =	simm.s32 $0xA00;
	v3 =	vperm.xlane v3, v2  }
0x2a: {  	[tilespmem:s0], [sflag:$0x1] =	stream.indirect_vreg.gather [hbm4b:s5+s3], $0x80, v4, vm0, $0xb8;
	[tilespmem:$0x10200] =	vst v63  }
0x2b: {  	s4 =	simm.s32 $0x1200;
	v3 =	vadd.s32 v1, v3  }
0x2c: {  	[tilespmem:s4], [sflag:$0x1] =	stream.indirect_vreg.gather [hbm4b:s6+s3], $0x80, v4, vm0, $0xb8;
	[tilespmem:$0x10200] =	vst v63  }
0x2d: {  	s8 =	simm.s32 $0x1A00  }
0x2e: {  	[tilespmem:s8], [sflag:$0x1] =	stream.indirect_vreg.gather [hbm4b:s7+s3], $0x80, v4, vm0, $0xb8;
	[tilespmem:$0x10200] =	vst v63  }
0x2f: {  	s10 =	simm.s32 $0x2200  }
0x30: {  	[tilespmem:s10], [sflag:$0x1] =	stream.indirect_vreg.gather [hbm4b:s2+s3], $0x80, v3, vm0, $0xb8;
	[tilespmem:$0x10200] =	vst v63  }
0x31: {  	s11 =	simm.s32 $0x2A00  }
0x32: {  	[tilespmem:s11], [sflag:$0x1] =	stream.indirect_vreg.gather [hbm4b:s5+s3], $0x80, v3, vm0, $0xb8;
	[tilespmem:$0x10200] =	vst v63  }
0x33: {  	s12 =	simm.s32 $0x3200  }
0x34: {  	[tilespmem:s12], [sflag:$0x1] =	stream.indirect_vreg.gather [hbm4b:s6+s3], $0x80, v3, vm0, $0xb8;
	[tilespmem:$0x10200] =	vst v63  }
0x35: {  	s13 =	simm.s32 $0x3A00  }
0x36: {  	[tilespmem:s13], [sflag:$0x1] =	stream.indirect_vreg.gather [hbm4b:s7+s3], $0x80, v3, vm0, $0xb8;
	[tilespmem:$0x10200] =	vst v63  }
0x37: {  	v3 =	vld [tilespmem:$0x10];
	_ =	sdelay $0x4  }
0x38: {  	v33 =	vshll.u32 v3, $0x3  }
0x39: {  	v3 =	vand.u32 $0x7, v3;
	v4 =	vand.u32 $0xFFFFFFC0, v33  }
0x3a: {  	v3 =	vor.u32 v3, v4  }
0x3b: {  	v4 =	vperm.xlane v3, v0;
	_ =	sdelay $0x1  }
0x3c: {  	v4 =	vadd.s32 v1, v4;
	_ =	sdelay $0x3  }
0x3d: {  	s14 =	simm.s32 $0x4200  }
0x3e: {  	[tilespmem:s14], [sflag:$0x1] =	stream.indirect_vreg.gather [hbm4b:s2+s3], $0x80, v4, vm0, $0xb8;
	[tilespmem:$0x10200] =	vst v63  }
0x3f: {  	s16 =	simm.s32 $0x4A00;
	v3 =	vperm.xlane v3, v2  }
0x40: {  	[tilespmem:s16], [sflag:$0x1] =	stream.indirect_vreg.gather [hbm4b:s5+s3], $0x80, v4, vm0, $0xb8;
	[tilespmem:$0x10200] =	vst v63  }
0x41: {  	s22 =	simm.s32 $0x5200;
	v3 =	vadd.s32 v1, v3  }
0x42: {  	[tilespmem:s22], [sflag:$0x1] =	stream.indirect_vreg.gather [hbm4b:s6+s3], $0x80, v4, vm0, $0xb8;
	[tilespmem:$0x10200] =	vst v63  }
0x43: {  	s23 =	simm.s32 $0x5A00  }
0x44: {  	[tilespmem:s23], [sflag:$0x1] =	stream.indirect_vreg.gather [hbm4b:s7+s3], $0x80, v4, vm0, $0xb8;
	[tilespmem:$0x10200] =	vst v63  }
0x45: {  	s24 =	simm.s32 $0x6200  }
0x46: {  	[tilespmem:s24], [sflag:$0x1] =	stream.indirect_vreg.gather [hbm4b:s2+s3], $0x80, v3, vm0, $0xb8;
	[tilespmem:$0x10200] =	vst v63  }
0x47: {  	s25 =	simm.s32 $0x6A00  }
0x48: {  	[tilespmem:s25], [sflag:$0x1] =	stream.indirect_vreg.gather [hbm4b:s5+s3], $0x80, v3, vm0, $0xb8;
	[tilespmem:$0x10200] =	vst v63  }
0x49: {  	s29 =	simm.s32 $0x7200  }
0x4a: {  	[tilespmem:s29], [sflag:$0x1] =	stream.indirect_vreg.gather [hbm4b:s6+s3], $0x80, v3, vm0, $0xb8;
	[tilespmem:$0x10200] =	vst v63  }
0x4b: {  	s31 =	simm.s32 $0x7A00  }
0x4c: {  	[tilespmem:s31], [sflag:$0x1] =	stream.indirect_vreg.gather [hbm4b:s7+s3], $0x80, v3, vm0, $0xb8;
	[tilespmem:$0x10200] =	vst v63  }
0x4d: {  	v3 =	vld [tilespmem:$0x20];
	_ =	sdelay $0x4  }
0x4e: {  	v34 =	vshll.u32 v3, $0x3  }
0x4f: {  	v3 =	vand.u32 $0x7, v3;
	v4 =	vand.u32 $0xFFFFFFC0, v34  }
0x50: {  	v3 =	vor.u32 v3, v4  }
0x51: {  	v4 =	vperm.xlane v3, v0;
	_ =	sdelay $0x1  }
0x52: {  	v4 =	vadd.s32 v1, v4;
	_ =	sdelay $0x4  }
0x53: {  	[tilespmem:s26], [sflag:$0x2] =	stream.indirect_vreg.gather [hbm4b:s2+s3], $0x80, v4, vm0, $0xb8;
	[tilespmem:$0x10200] =	vst v63  }
0x54: {  	s11 =	simm.s32 $0x8A00;
	v3 =	vperm.xlane v3, v2  }
0x55: {  	[tilespmem:s11], [sflag:$0x2] =	stream.indirect_vreg.gather [hbm4b:s5+s3], $0x80, v4, vm0, $0xb8;
	[tilespmem:$0x10200] =	vst v63  }
0x56: {  	s12 =	simm.s32 $0x9200;
	v3 =	vadd.s32 v1, v3  }
0x57: {  	[tilespmem:s12], [sflag:$0x2] =	stream.indirect_vreg.gather [hbm4b:s6+s3], $0x80, v4, vm0, $0xb8;
	[tilespmem:$0x10200] =	vst v63  }
0x58: {  	s13 =	simm.s32 $0x9A00  }
0x59: {  	[tilespmem:s13], [sflag:$0x2] =	stream.indirect_vreg.gather [hbm4b:s7+s3], $0x80, v4, vm0, $0xb8;
	[tilespmem:$0x10200] =	vst v63  }
0x5a: {  	s14 =	simm.s32 $0xA200  }
0x5b: {  	[tilespmem:s14], [sflag:$0x2] =	stream.indirect_vreg.gather [hbm4b:s2+s3], $0x80, v3, vm0, $0xb8;
	[tilespmem:$0x10200] =	vst v63  }
0x5c: {  	s16 =	simm.s32 $0xAA00  }
0x5d: {  	[tilespmem:s16], [sflag:$0x2] =	stream.indirect_vreg.gather [hbm4b:s5+s3], $0x80, v3, vm0, $0xb8;
	[tilespmem:$0x10200] =	vst v63  }
0x5e: {  	s23 =	simm.s32 $0xB200  }
0x5f: {  	[tilespmem:s23], [sflag:$0x2] =	stream.indirect_vreg.gather [hbm4b:s6+s3], $0x80, v3, vm0, $0xb8;
	[tilespmem:$0x10200] =	vst v63  }
0x60: {  	s24 =	simm.s32 $0xBA00  }
0x61: {  	[tilespmem:s24], [sflag:$0x2] =	stream.indirect_vreg.gather [hbm4b:s7+s3], $0x80, v3, vm0, $0xb8;
	[tilespmem:$0x10200] =	vst v63  }
0x62: {  	v3 =	vld [tilespmem:$0x30];
	_ =	sdelay $0x4  }
0x63: {  	v35 =	vshll.u32 v3, $0x3  }
0x64: {  	v3 =	vand.u32 $0x7, v3;
	v4 =	vand.u32 $0xFFFFFFC0, v35  }
0x65: {  	v3 =	vor.u32 v3, v4  }
0x66: {  	v4 =	vperm.xlane v3, v0;
	_ =	sdelay $0x1  }
0x67: {  	v4 =	vadd.s32 v1, v4;
	_ =	sdelay $0x3  }
0x68: {  	s25 =	simm.s32 $0xC200  }
0x69: {  	[tilespmem:s25], [sflag:$0x2] =	stream.indirect_vreg.gather [hbm4b:s2+s3], $0x80, v4, vm0, $0xb8;
	[tilespmem:$0x10200] =	vst v63  }
0x6a: {  	s29 =	simm.s32 $0xCA00;
	v3 =	vperm.xlane v3, v2  }
0x6b: {  	[tilespmem:s29], [sflag:$0x2] =	stream.indirect_vreg.gather [hbm4b:s5+s3], $0x80, v4, vm0, $0xb8;
	[tilespmem:$0x10200] =	vst v63  }
0x6c: {  	s31 =	simm.s32 $0xD200;
	v3 =	vadd.s32 v1, v3  }
0x6d: {  	[tilespmem:s31], [sflag:$0x2] =	stream.indirect_vreg.gather [hbm4b:s6+s3], $0x80, v4, vm0, $0xb8;
	[tilespmem:$0x10200] =	vst v63  }
0x6e: {  	s0 =	simm.s32 $0xDA00  }
0x6f: {  	[tilespmem:s0], [sflag:$0x2] =	stream.indirect_vreg.gather [hbm4b:s7+s3], $0x80, v4, vm0, $0xb8;
	[tilespmem:$0x10200] =	vst v63  }
0x70: {  	s11 =	simm.s32 $0xE200  }
0x71: {  	[tilespmem:s11], [sflag:$0x2] =	stream.indirect_vreg.gather [hbm4b:s2+s3], $0x80, v3, vm0, $0xb8;
	[tilespmem:$0x10200] =	vst v63  }
0x72: {  	s16 =	simm.s32 $0xEA00  }
0x73: {  	[tilespmem:s16], [sflag:$0x2] =	stream.indirect_vreg.gather [hbm4b:s5+s3], $0x80, v3, vm0, $0xb8;
	[tilespmem:$0x10200] =	vst v63  }
0x74: {  	s24 =	simm.s32 $0xF200  }
0x75: {  	[tilespmem:s24], [sflag:$0x2] =	stream.indirect_vreg.gather [hbm4b:s6+s3], $0x80, v3, vm0, $0xb8;
	[tilespmem:$0x10200] =	vst v63  }
0x76: {  	s25 =	simm.s32 $0xFA00  }
0x77: {  	[tilespmem:s25], [sflag:$0x2] =	stream.indirect_vreg.gather [hbm4b:s7+s3], $0x80, v3, vm0, $0xb8;
	[tilespmem:$0x10200] =	vst v63  }
0x78: {  	_ =	swait.ge [sflag:s18], $0x8000  }
0x79: {  	[sflag:s18] =	ssyncset.done $0x0  }
0x7a: {  	s0 =	rddreg [dreg:$0x15];
	[sflag:s18] =	ssyncadd.s32 $0xFFFF8000  }
0x7b: {  	[hbm4b:s0+s3] =	stream.linear.scatter [tilespmem:s9], [sflag:$0x3], $0x8000, $0x38;
	[tilespmem:$0x10200] =	vst v63  }
0x7c: {  	_ =	swait.ge [sflag:s19], $0x8000  }
0x7d: {  	[sflag:s19] =	ssyncset.done $0x0  }
0x7e: {  	[sflag:s19] =	ssyncadd.s32 $0xFFFF8000  }
0x7f: {  	v3 =	vld [tilespmem:$0x40];
	_ =	sdelay $0x4  }
0x80: {  	v36 =	vshll.u32 v3, $0x3  }
0x81: {  	v3 =	vand.u32 $0x7, v3;
	v4 =	vand.u32 $0xFFFFFFC0, v36  }
0x82: {  	v3 =	vor.u32 v3, v4  }
0x83: {  	v4 =	vperm.xlane v3, v0;
	_ =	sdelay $0x1  }
0x84: {  	v4 =	vadd.s32 v1, v4;
	_ =	sdelay $0x4  }
0x85: {  	[tilespmem:s9], [sflag:$0x1] =	stream.indirect_vreg.gather [hbm4b:s2+s3], $0x80, v4, vm0, $0xb8;
	[tilespmem:$0x10200] =	vst v63  }
0x86: {  	s16 =	simm.s32 $0xA00;
	v3 =	vperm.xlane v3, v2  }
0x87: {  	[tilespmem:s16], [sflag:$0x1] =	stream.indirect_vreg.gather [hbm4b:s5+s3], $0x80, v4, vm0, $0xb8;
	[tilespmem:$0x10200] =	vst v63  }
0x88: {  	s1 =	simm.s32 $0x1200;
	v3 =	vadd.s32 v1, v3  }
0x89: {  	[tilespmem:s1], [sflag:$0x1] =	stream.indirect_vreg.gather [hbm4b:s6+s3], $0x80, v4, vm0, $0xb8;
	[tilespmem:$0x10200] =	vst v63  }
0x8a: {  	s4 =	simm.s32 $0x1A00  }
0x8b: {  	[tilespmem:s4], [sflag:$0x1] =	stream.indirect_vreg.gather [hbm4b:s7+s3], $0x80, v4, vm0, $0xb8;
	[tilespmem:$0x10200] =	vst v63  }
0x8c: {  	s8 =	simm.s32 $0x2200  }
0x8d: {  	[tilespmem:s8], [sflag:$0x1] =	stream.indirect_vreg.gather [hbm4b:s2+s3], $0x80, v3, vm0, $0xb8;
	[tilespmem:$0x10200] =	vst v63  }
0x8e: {  	s15 =	simm.s32 $0x2A00  }
0x8f: {  	[tilespmem:s15], [sflag:$0x1] =	stream.indirect_vreg.gather [hbm4b:s5+s3], $0x80, v3, vm0, $0xb8;
	[tilespmem:$0x10200] =	vst v63  }
0x90: {  	s30 =	simm.s32 $0x3200  }
0x91: {  	[tilespmem:s30], [sflag:$0x1] =	stream.indirect_vreg.gather [hbm4b:s6+s3], $0x80, v3, vm0, $0xb8;
	[tilespmem:$0x10200] =	vst v63  }
0x92: {  	s17 =	simm.s32 $0x3A00  }
0x93: {  	[tilespmem:s17], [sflag:$0x1] =	stream.indirect_vreg.gather [hbm4b:s7+s3], $0x80, v3, vm0, $0xb8;
	[tilespmem:$0x10200] =	vst v63  }
0x94: {  	v3 =	vld [tilespmem:$0x50];
	_ =	sdelay $0x4  }
0x95: {  	v37 =	vshll.u32 v3, $0x3  }
0x96: {  	v3 =	vand.u32 $0x7, v3;
	v4 =	vand.u32 $0xFFFFFFC0, v37  }
0x97: {  	v3 =	vor.u32 v3, v4  }
0x98: {  	v4 =	vperm.xlane v3, v0;
	_ =	sdelay $0x1  }
0x99: {  	v4 =	vadd.s32 v1, v4;
	_ =	sdelay $0x3  }
0x9a: {  	s17 =	simm.s32 $0x4200  }
0x9b: {  	[tilespmem:s17], [sflag:$0x1] =	stream.indirect_vreg.gather [hbm4b:s2+s3], $0x80, v4, vm0, $0xb8;
	[tilespmem:$0x10200] =	vst v63  }
0x9c: {  	s24 =	simm.s32 $0x4A00;
	v3 =	vperm.xlane v3, v2  }
0x9d: {  	[tilespmem:s24], [sflag:$0x1] =	stream.indirect_vreg.gather [hbm4b:s5+s3], $0x80, v4, vm0, $0xb8;
	[tilespmem:$0x10200] =	vst v63  }
0x9e: {  	s10 =	simm.s32 $0x5200;
	v3 =	vadd.s32 v1, v3  }
0x9f: {  	[tilespmem:s10], [sflag:$0x1] =	stream.indirect_vreg.gather [hbm4b:s6+s3], $0x80, v4, vm0, $0xb8;
	[tilespmem:$0x10200] =	vst v63  }
0xa0: {  	s30 =	simm.s32 $0x5A00  }
0xa1: {  	[tilespmem:s30], [sflag:$0x1] =	stream.indirect_vreg.gather [hbm4b:s7+s3], $0x80, v4, vm0, $0xb8;
	[tilespmem:$0x10200] =	vst v63  }
0xa2: {  	s4 =	simm.s32 $0x6200  }
0xa3: {  	[tilespmem:s4], [sflag:$0x1] =	stream.indirect_vreg.gather [hbm4b:s2+s3], $0x80, v3, vm0, $0xb8;
	[tilespmem:$0x10200] =	vst v63  }
0xa4: {  	s8 =	simm.s32 $0x6A00  }
0xa5: {  	[tilespmem:s8], [sflag:$0x1] =	stream.indirect_vreg.gather [hbm4b:s5+s3], $0x80, v3, vm0, $0xb8;
	[tilespmem:$0x10200] =	vst v63  }
0xa6: {  	s15 =	simm.s32 $0x7200  }
0xa7: {  	[tilespmem:s15], [sflag:$0x1] =	stream.indirect_vreg.gather [hbm4b:s6+s3], $0x80, v3, vm0, $0xb8;
	[tilespmem:$0x10200] =	vst v63  }
0xa8: {  	s25 =	simm.s32 $0x7A00  }
0xa9: {  	[tilespmem:s25], [sflag:$0x1] =	stream.indirect_vreg.gather [hbm4b:s7+s3], $0x80, v3, vm0, $0xb8;
	[tilespmem:$0x10200] =	vst v63  }
0xaa: {  	_ =	swait.ge [sflag:s20], $0x8000  }
0xab: {  	[sflag:s20] =	ssyncset.done $0x0  }
0xac: {  	s10 =	rddreg [dreg:$0x5];
	[sflag:s20] =	ssyncadd.s32 $0xFFFF8000  }
0xad: {  	[hbm4b:s10+s3] =	stream.linear.scatter [tilespmem:s26], [sflag:$0x4], $0x8000, $0x38;
	[tilespmem:$0x10200] =	vst v63  }
0xae: {  	_ =	swait.ge [sflag:s21], $0x8000  }
0xaf: {  	[sflag:s21] =	ssyncset.done $0x0  }
0xb0: {  	[sflag:s21] =	ssyncadd.s32 $0xFFFF8000  }
0xb1: {  	v3 =	vld [tilespmem:$0x60];
	_ =	sdelay $0x4  }
0xb2: {  	v38 =	vshll.u32 v3, $0x3  }
0xb3: {  	v3 =	vand.u32 $0x7, v3;
	v4 =	vand.u32 $0xFFFFFFC0, v38  }
0xb4: {  	v3 =	vor.u32 v3, v4  }
0xb5: {  	v4 =	vperm.xlane v3, v0;
	_ =	sdelay $0x1  }
0xb6: {  	v4 =	vadd.s32 v1, v4;
	_ =	sdelay $0x4  }
0xb7: {  	[tilespmem:s26], [sflag:$0x2] =	stream.indirect_vreg.gather [hbm4b:s2+s3], $0x80, v4, vm0, $0xb8;
	[tilespmem:$0x10200] =	vst v63  }
0xb8: {  	s1 =	simm.s32 $0x8A00;
	v3 =	vperm.xlane v3, v2  }
0xb9: {  	[tilespmem:s1], [sflag:$0x2] =	stream.indirect_vreg.gather [hbm4b:s5+s3], $0x80, v4, vm0, $0xb8;
	[tilespmem:$0x10200] =	vst v63  }
0xba: {  	s0 =	simm.s32 $0x9200;
	v3 =	vadd.s32 v1, v3  }
0xbb: {  	[tilespmem:s0], [sflag:$0x2] =	stream.indirect_vreg.gather [hbm4b:s6+s3], $0x80, v4, vm0, $0xb8;
	[tilespmem:$0x10200] =	vst v63  }
0xbc: {  	s22 =	simm.s32 $0x9A00  }
0xbd: {  	[tilespmem:s22], [sflag:$0x2] =	stream.indirect_vreg.gather [hbm4b:s7+s3], $0x80, v4, vm0, $0xb8;
	[tilespmem:$0x10200] =	vst v63  }
0xbe: {  	s22 =	simm.s32 $0xA200  }
0xbf: {  	[tilespmem:s22], [sflag:$0x2] =	stream.indirect_vreg.gather [hbm4b:s2+s3], $0x80, v3, vm0, $0xb8;
	[tilespmem:$0x10200] =	vst v63  }
0xc0: {  	s22 =	simm.s32 $0xAA00  }
0xc1: {  	[tilespmem:s22], [sflag:$0x2] =	stream.indirect_vreg.gather [hbm4b:s5+s3], $0x80, v3, vm0, $0xb8;
	[tilespmem:$0x10200] =	vst v63  }
0xc2: {  	s23 =	simm.s32 $0xB200  }
0xc3: {  	[tilespmem:s23], [sflag:$0x2] =	stream.indirect_vreg.gather [hbm4b:s6+s3], $0x80, v3, vm0, $0xb8;
	[tilespmem:$0x10200] =	vst v63  }
0xc4: {  	s12 =	simm.s32 $0xBA00  }
0xc5: {  	[tilespmem:s12], [sflag:$0x2] =	stream.indirect_vreg.gather [hbm4b:s7+s3], $0x80, v3, vm0, $0xb8;
	[tilespmem:$0x10200] =	vst v63  }
0xc6: {  	v3 =	vld [tilespmem:$0x70];
	_ =	sdelay $0x4  }
0xc7: {  	v39 =	vshll.u32 v3, $0x3  }
0xc8: {  	v3 =	vand.u32 $0x7, v3;
	v4 =	vand.u32 $0xFFFFFFC0, v39  }
0xc9: {  	v3 =	vor.u32 v3, v4  }
0xca: {  	v4 =	vperm.xlane v3, v0;
	_ =	sdelay $0x1  }
0xcb: {  	v4 =	vadd.s32 v1, v4;
	_ =	sdelay $0x3  }
0xcc: {  	s13 =	simm.s32 $0xC200  }
0xcd: {  	[tilespmem:s13], [sflag:$0x2] =	stream.indirect_vreg.gather [hbm4b:s2+s3], $0x80, v4, vm0, $0xb8;
	[tilespmem:$0x10200] =	vst v63  }
0xce: {  	s14 =	simm.s32 $0xCA00;
	v3 =	vperm.xlane v3, v2  }
0xcf: {  	[tilespmem:s14], [sflag:$0x2] =	stream.indirect_vreg.gather [hbm4b:s5+s3], $0x80, v4, vm0, $0xb8;
	[tilespmem:$0x10200] =	vst v63  }
0xd0: {  	v3 =	vadd.s32 v1, v3;
	s13 =	simm.s32 $0xD200  }
0xd1: {  	[tilespmem:s13], [sflag:$0x2] =	stream.indirect_vreg.gather [hbm4b:s6+s3], $0x80, v4, vm0, $0xb8;
	[tilespmem:$0x10200] =	vst v63  }
0xd2: {  	s14 =	simm.s32 $0xDA00  }
0xd3: {  	[tilespmem:s14], [sflag:$0x2] =	stream.indirect_vreg.gather [hbm4b:s7+s3], $0x80, v4, vm0, $0xb8;
	[tilespmem:$0x10200] =	vst v63  }
0xd4: {  	s22 =	simm.s32 $0xE200  }
0xd5: {  	[tilespmem:s22], [sflag:$0x2] =	stream.indirect_vreg.gather [hbm4b:s2+s3], $0x80, v3, vm0, $0xb8;
	[tilespmem:$0x10200] =	vst v63  }
0xd6: {  	s29 =	simm.s32 $0xEA00  }
0xd7: {  	[tilespmem:s29], [sflag:$0x2] =	stream.indirect_vreg.gather [hbm4b:s5+s3], $0x80, v3, vm0, $0xb8;
	[tilespmem:$0x10200] =	vst v63  }
0xd8: {  	s31 =	simm.s32 $0xF200  }
0xd9: {  	[tilespmem:s31], [sflag:$0x2] =	stream.indirect_vreg.gather [hbm4b:s6+s3], $0x80, v3, vm0, $0xb8;
	[tilespmem:$0x10200] =	vst v63  }
0xda: {  	s11 =	simm.s32 $0xFA00  }
0xdb: {  	[tilespmem:s11], [sflag:$0x2] =	stream.indirect_vreg.gather [hbm4b:s7+s3], $0x80, v3, vm0, $0xb8;
	[tilespmem:$0x10200] =	vst v63  }
0xdc: {  	_ =	swait.ge [sflag:s18], $0x8000  }
0xdd: {  	[sflag:s18] =	ssyncset.done $0x0  }
0xde: {  	s22 =	rddreg [dreg:$0x6];
	[sflag:s18] =	ssyncadd.s32 $0xFFFF8000  }
0xdf: {  	[hbm4b:s22+s3] =	stream.linear.scatter [tilespmem:s9], [sflag:$0x3], $0x8000, $0x38;
	[tilespmem:$0x10200] =	vst v63  }
0xe0: {  	_ =	swait.ge [sflag:s19], $0x8000  }
0xe1: {  	[sflag:s19] =	ssyncset.done $0x0  }
0xe2: {  	[sflag:s19] =	ssyncadd.s32 $0xFFFF8000  }
0xe3: {  	v3 =	vld [tilespmem:$0x80];
	_ =	sdelay $0x4  }
0xe4: {  	v40 =	vshll.u32 v3, $0x3  }
0xe5: {  	v3 =	vand.u32 $0x7, v3;
	v4 =	vand.u32 $0xFFFFFFC0, v40  }
0xe6: {  	v3 =	vor.u32 v3, v4  }
0xe7: {  	v4 =	vperm.xlane v3, v0;
	_ =	sdelay $0x1  }
0xe8: {  	v4 =	vadd.s32 v1, v4;
	_ =	sdelay $0x4  }
0xe9: {  	[tilespmem:s9], [sflag:$0x1] =	stream.indirect_vreg.gather [hbm4b:s2+s3], $0x80, v4, vm0, $0xb8;
	[tilespmem:$0x10200] =	vst v63  }
0xea: {  	v3 =	vperm.xlane v3, v2  }
0xeb: {  	[tilespmem:s16], [sflag:$0x1] =	stream.indirect_vreg.gather [hbm4b:s5+s3], $0x80, v4, vm0, $0xb8;
	[tilespmem:$0x10200] =	vst v63  }
0xec: {  	s22 =	simm.s32 $0x1200;
	v3 =	vadd.s32 v1, v3  }
0xed: {  	[tilespmem:s22], [sflag:$0x1] =	stream.indirect_vreg.gather [hbm4b:s6+s3], $0x80, v4, vm0, $0xb8;
	[tilespmem:$0x10200] =	vst v63  }
0xee: {  	s22 =	simm.s32 $0x1A00  }
0xef: {  	[tilespmem:s22], [sflag:$0x1] =	stream.indirect_vreg.gather [hbm4b:s7+s3], $0x80, v4, vm0, $0xb8;
	[tilespmem:$0x10200] =	vst v63  }
0xf0: {  	s22 =	simm.s32 $0x2200  }
0xf1: {  	[tilespmem:s22], [sflag:$0x1] =	stream.indirect_vreg.gather [hbm4b:s2+s3], $0x80, v3, vm0, $0xb8;
	[tilespmem:$0x10200] =	vst v63  }
0xf2: {  	s22 =	simm.s32 $0x2A00  }
0xf3: {  	[tilespmem:s22], [sflag:$0x1] =	stream.indirect_vreg.gather [hbm4b:s5+s3], $0x80, v3, vm0, $0xb8;
	[tilespmem:$0x10200] =	vst v63  }
0xf4: {  	s22 =	simm.s32 $0x3200  }
0xf5: {  	[tilespmem:s22], [sflag:$0x1] =	stream.indirect_vreg.gather [hbm4b:s6+s3], $0x80, v3, vm0, $0xb8;
	[tilespmem:$0x10200] =	vst v63  }
0xf6: {  	s22 =	simm.s32 $0x3A00  }
0xf7: {  	[tilespmem:s22], [sflag:$0x1] =	stream.indirect_vreg.gather [hbm4b:s7+s3], $0x80, v3, vm0, $0xb8;
	[tilespmem:$0x10200] =	vst v63  }
0xf8: {  	v3 =	vld [tilespmem:$0x90];
	_ =	sdelay $0x4  }
0xf9: {  	v41 =	vshll.u32 v3, $0x3  }
0xfa: {  	v3 =	vand.u32 $0x7, v3;
	v4 =	vand.u32 $0xFFFFFFC0, v41  }
0xfb: {  	v3 =	vor.u32 v3, v4  }
0xfc: {  	v4 =	vperm.xlane v3, v0;
	_ =	sdelay $0x1  }
0xfd: {  	v4 =	vadd.s32 v1, v4;
	_ =	sdelay $0x4  }
0xfe: {  	[tilespmem:s17], [sflag:$0x1] =	stream.indirect_vreg.gather [hbm4b:s2+s3], $0x80, v4, vm0, $0xb8;
	[tilespmem:$0x10200] =	vst v63  }
0xff: {  	v3 =	vperm.xlane v3, v2  }
0x100: {  	[tilespmem:s24], [sflag:$0x1] =	stream.indirect_vreg.gather [hbm4b:s5+s3], $0x80, v4, vm0, $0xb8;
	[tilespmem:$0x10200] =	vst v63  }
0x101: {  	s22 =	simm.s32 $0x5200;
	v3 =	vadd.s32 v1, v3  }
0x102: {  	[tilespmem:s22], [sflag:$0x1] =	stream.indirect_vreg.gather [hbm4b:s6+s3], $0x80, v4, vm0, $0xb8;
	[tilespmem:$0x10200] =	vst v63  }
0x103: {  	_ = 	snop  }
0x104: {  	[tilespmem:s30], [sflag:$0x1] =	stream.indirect_vreg.gather [hbm4b:s7+s3], $0x80, v4, vm0, $0xb8;
	[tilespmem:$0x10200] =	vst v63  }
0x105: {  	_ = 	snop  }
0x106: {  	[tilespmem:s4], [sflag:$0x1] =	stream.indirect_vreg.gather [hbm4b:s2+s3], $0x80, v3, vm0, $0xb8;
	[tilespmem:$0x10200] =	vst v63  }
0x107: {  	_ = 	snop  }
0x108: {  	[tilespmem:s8], [sflag:$0x1] =	stream.indirect_vreg.gather [hbm4b:s5+s3], $0x80, v3, vm0, $0xb8;
	[tilespmem:$0x10200] =	vst v63  }
0x109: {  	_ = 	snop  }
0x10a: {  	[tilespmem:s15], [sflag:$0x1] =	stream.indirect_vreg.gather [hbm4b:s6+s3], $0x80, v3, vm0, $0xb8;
	[tilespmem:$0x10200] =	vst v63  }
0x10b: {  	_ = 	snop  }
0x10c: {  	[tilespmem:s25], [sflag:$0x1] =	stream.indirect_vreg.gather [hbm4b:s7+s3], $0x80, v3, vm0, $0xb8;
	[tilespmem:$0x10200] =	vst v63  }
0x10d: {  	_ =	swait.ge [sflag:s20], $0x8000  }
0x10e: {  	[sflag:s20] =	ssyncset.done $0x0  }
0x10f: {  	s22 =	rddreg [dreg:$0x7];
	[sflag:s20] =	ssyncadd.s32 $0xFFFF8000  }
0x110: {  	[hbm4b:s22+s3] =	stream.linear.scatter [tilespmem:s26], [sflag:$0x4], $0x8000, $0x38;
	[tilespmem:$0x10200] =	vst v63  }
0x111: {  	_ =	swait.ge [sflag:s21], $0x8000  }
0x112: {  	[sflag:s21] =	ssyncset.done $0x0  }
0x113: {  	[sflag:s21] =	ssyncadd.s32 $0xFFFF8000  }
0x114: {  	v3 =	vld [tilespmem:$0xA0];
	_ =	sdelay $0x4  }
0x115: {  	v42 =	vshll.u32 v3, $0x3  }
0x116: {  	v3 =	vand.u32 $0x7, v3;
	v4 =	vand.u32 $0xFFFFFFC0, v42  }
0x117: {  	v3 =	vor.u32 v3, v4  }
0x118: {  	v4 =	vperm.xlane v3, v0;
	_ =	sdelay $0x1  }
0x119: {  	v4 =	vadd.s32 v1, v4;
	_ =	sdelay $0x4  }
0x11a: {  	[tilespmem:s26], [sflag:$0x2] =	stream.indirect_vreg.gather [hbm4b:s2+s3], $0x80, v4, vm0, $0xb8;
	[tilespmem:$0x10200] =	vst v63  }
0x11b: {  	v3 =	vperm.xlane v3, v2  }
0x11c: {  	[tilespmem:s1], [sflag:$0x2] =	stream.indirect_vreg.gather [hbm4b:s5+s3], $0x80, v4, vm0, $0xb8;
	[tilespmem:$0x10200] =	vst v63  }
0x11d: {  	v3 =	vadd.s32 v1, v3  }
0x11e: {  	[tilespmem:s0], [sflag:$0x2] =	stream.indirect_vreg.gather [hbm4b:s6+s3], $0x80, v4, vm0, $0xb8;
	[tilespmem:$0x10200] =	vst v63  }
0x11f: {  	s22 =	simm.s32 $0x9A00  }
0x120: {  	[tilespmem:s22], [sflag:$0x2] =	stream.indirect_vreg.gather [hbm4b:s7+s3], $0x80, v4, vm0, $0xb8;
	[tilespmem:$0x10200] =	vst v63  }
0x121: {  	s10 =	simm.s32 $0xA200  }
0x122: {  	[tilespmem:s10], [sflag:$0x2] =	stream.indirect_vreg.gather [hbm4b:s2+s3], $0x80, v3, vm0, $0xb8;
	[tilespmem:$0x10200] =	vst v63  }
0x123: {  	s22 =	simm.s32 $0xAA00  }
0x124: {  	[tilespmem:s22], [sflag:$0x2] =	stream.indirect_vreg.gather [hbm4b:s5+s3], $0x80, v3, vm0, $0xb8;
	[tilespmem:$0x10200] =	vst v63  }
0x125: {  	s23 =	simm.s32 $0xB200  }
0x126: {  	[tilespmem:s23], [sflag:$0x2] =	stream.indirect_vreg.gather [hbm4b:s6+s3], $0x80, v3, vm0, $0xb8;
	[tilespmem:$0x10200] =	vst v63  }
0x127: {  	s22 =	simm.s32 $0xBA00  }
0x128: {  	[tilespmem:s22], [sflag:$0x2] =	stream.indirect_vreg.gather [hbm4b:s7+s3], $0x80, v3, vm0, $0xb8;
	[tilespmem:$0x10200] =	vst v63  }
0x129: {  	v3 =	vld [tilespmem:$0xB0];
	_ =	sdelay $0x4  }
0x12a: {  	v43 =	vshll.u32 v3, $0x3  }
0x12b: {  	v3 =	vand.u32 $0x7, v3;
	v4 =	vand.u32 $0xFFFFFFC0, v43  }
0x12c: {  	v3 =	vor.u32 v3, v4  }
0x12d: {  	v4 =	vperm.xlane v3, v0;
	_ =	sdelay $0x1  }
0x12e: {  	v4 =	vadd.s32 v1, v4;
	_ =	sdelay $0x3  }
0x12f: {  	s22 =	simm.s32 $0xC200  }
0x130: {  	[tilespmem:s22], [sflag:$0x2] =	stream.indirect_vreg.gather [hbm4b:s2+s3], $0x80, v4, vm0, $0xb8;
	[tilespmem:$0x10200] =	vst v63  }
0x131: {  	v3 =	vperm.xlane v3, v2;
	s22 =	simm.s32 $0xCA00  }
0x132: {  	[tilespmem:s22], [sflag:$0x2] =	stream.indirect_vreg.gather [hbm4b:s5+s3], $0x80, v4, vm0, $0xb8;
	[tilespmem:$0x10200] =	vst v63  }
0x133: {  	s12 =	simm.s32 $0xD200;
	v3 =	vadd.s32 v1, v3  }
0x134: {  	[tilespmem:s12], [sflag:$0x2] =	stream.indirect_vreg.gather [hbm4b:s6+s3], $0x80, v4, vm0, $0xb8;
	[tilespmem:$0x10200] =	vst v63  }
0x135: {  	s13 =	simm.s32 $0xDA00  }
0x136: {  	[tilespmem:s13], [sflag:$0x2] =	stream.indirect_vreg.gather [hbm4b:s7+s3], $0x80, v4, vm0, $0xb8;
	[tilespmem:$0x10200] =	vst v63  }
0x137: {  	s14 =	simm.s32 $0xE200  }
0x138: {  	[tilespmem:s14], [sflag:$0x2] =	stream.indirect_vreg.gather [hbm4b:s2+s3], $0x80, v3, vm0, $0xb8;
	[tilespmem:$0x10200] =	vst v63  }
0x139: {  	s29 =	simm.s32 $0xEA00  }
0x13a: {  	[tilespmem:s29], [sflag:$0x2] =	stream.indirect_vreg.gather [hbm4b:s5+s3], $0x80, v3, vm0, $0xb8;
	[tilespmem:$0x10200] =	vst v63  }
0x13b: {  	s31 =	simm.s32 $0xF200  }
0x13c: {  	[tilespmem:s31], [sflag:$0x2] =	stream.indirect_vreg.gather [hbm4b:s6+s3], $0x80, v3, vm0, $0xb8;
	[tilespmem:$0x10200] =	vst v63  }
0x13d: {  	s11 =	simm.s32 $0xFA00  }
0x13e: {  	[tilespmem:s11], [sflag:$0x2] =	stream.indirect_vreg.gather [hbm4b:s7+s3], $0x80, v3, vm0, $0xb8;
	[tilespmem:$0x10200] =	vst v63  }
0x13f: {  	_ =	swait.ge [sflag:s18], $0x8000  }
0x140: {  	[sflag:s18] =	ssyncset.done $0x0  }
0x141: {  	s22 =	rddreg [dreg:$0x8];
	[sflag:s18] =	ssyncadd.s32 $0xFFFF8000  }
0x142: {  	[hbm4b:s22+s3] =	stream.linear.scatter [tilespmem:s9], [sflag:$0x3], $0x8000, $0x38;
	[tilespmem:$0x10200] =	vst v63  }
0x143: {  	_ =	swait.ge [sflag:s19], $0x8000  }
0x144: {  	[sflag:s19] =	ssyncset.done $0x0  }
0x145: {  	[sflag:s19] =	ssyncadd.s32 $0xFFFF8000  }
0x146: {  	v3 =	vld [tilespmem:$0xC0];
	_ =	sdelay $0x4  }
0x147: {  	v44 =	vshll.u32 v3, $0x3  }
0x148: {  	v3 =	vand.u32 $0x7, v3;
	v4 =	vand.u32 $0xFFFFFFC0, v44  }
0x149: {  	v3 =	vor.u32 v3, v4  }
0x14a: {  	v4 =	vperm.xlane v3, v0;
	_ =	sdelay $0x1  }
0x14b: {  	v4 =	vadd.s32 v1, v4;
	_ =	sdelay $0x4  }
0x14c: {  	[tilespmem:s9], [sflag:$0x1] =	stream.indirect_vreg.gather [hbm4b:s2+s3], $0x80, v4, vm0, $0xb8;
	[tilespmem:$0x10200] =	vst v63  }
0x14d: {  	s16 =	simm.s32 $0xA00;
	v3 =	vperm.xlane v3, v2  }
0x14e: {  	[tilespmem:s16], [sflag:$0x1] =	stream.indirect_vreg.gather [hbm4b:s5+s3], $0x80, v4, vm0, $0xb8;
	[tilespmem:$0x10200] =	vst v63  }
0x14f: {  	s22 =	simm.s32 $0x1200;
	v3 =	vadd.s32 v1, v3  }
0x150: {  	[tilespmem:s22], [sflag:$0x1] =	stream.indirect_vreg.gather [hbm4b:s6+s3], $0x80, v4, vm0, $0xb8;
	[tilespmem:$0x10200] =	vst v63  }
0x151: {  	s22 =	simm.s32 $0x1A00  }
0x152: {  	[tilespmem:s22], [sflag:$0x1] =	stream.indirect_vreg.gather [hbm4b:s7+s3], $0x80, v4, vm0, $0xb8;
	[tilespmem:$0x10200] =	vst v63  }
0x153: {  	s22 =	simm.s32 $0x2200  }
0x154: {  	[tilespmem:s22], [sflag:$0x1] =	stream.indirect_vreg.gather [hbm4b:s2+s3], $0x80, v3, vm0, $0xb8;
	[tilespmem:$0x10200] =	vst v63  }
0x155: {  	s22 =	simm.s32 $0x2A00  }
0x156: {  	[tilespmem:s22], [sflag:$0x1] =	stream.indirect_vreg.gather [hbm4b:s5+s3], $0x80, v3, vm0, $0xb8;
	[tilespmem:$0x10200] =	vst v63  }
0x157: {  	s22 =	simm.s32 $0x3200  }
0x158: {  	[tilespmem:s22], [sflag:$0x1] =	stream.indirect_vreg.gather [hbm4b:s6+s3], $0x80, v3, vm0, $0xb8;
	[tilespmem:$0x10200] =	vst v63  }
0x159: {  	s22 =	simm.s32 $0x3A00  }
0x15a: {  	[tilespmem:s22], [sflag:$0x1] =	stream.indirect_vreg.gather [hbm4b:s7+s3], $0x80, v3, vm0, $0xb8;
	[tilespmem:$0x10200] =	vst v63  }
0x15b: {  	v3 =	vld [tilespmem:$0xD0];
	_ =	sdelay $0x4  }
0x15c: {  	v45 =	vshll.u32 v3, $0x3  }
0x15d: {  	v3 =	vand.u32 $0x7, v3;
	v4 =	vand.u32 $0xFFFFFFC0, v45  }
0x15e: {  	v3 =	vor.u32 v3, v4  }
0x15f: {  	v4 =	vperm.xlane v3, v0;
	_ =	sdelay $0x1  }
0x160: {  	v4 =	vadd.s32 v1, v4;
	_ =	sdelay $0x3  }
0x161: {  	s17 =	simm.s32 $0x4200  }
0x162: {  	[tilespmem:s17], [sflag:$0x1] =	stream.indirect_vreg.gather [hbm4b:s2+s3], $0x80, v4, vm0, $0xb8;
	[tilespmem:$0x10200] =	vst v63  }
0x163: {  	s24 =	simm.s32 $0x4A00;
	v3 =	vperm.xlane v3, v2  }
0x164: {  	[tilespmem:s24], [sflag:$0x1] =	stream.indirect_vreg.gather [hbm4b:s5+s3], $0x80, v4, vm0, $0xb8;
	[tilespmem:$0x10200] =	vst v63  }
0x165: {  	s22 =	simm.s32 $0x5200;
	v3 =	vadd.s32 v1, v3  }
0x166: {  	[tilespmem:s22], [sflag:$0x1] =	stream.indirect_vreg.gather [hbm4b:s6+s3], $0x80, v4, vm0, $0xb8;
	[tilespmem:$0x10200] =	vst v63  }
0x167: {  	s30 =	simm.s32 $0x5A00  }
0x168: {  	[tilespmem:s30], [sflag:$0x1] =	stream.indirect_vreg.gather [hbm4b:s7+s3], $0x80, v4, vm0, $0xb8;
	[tilespmem:$0x10200] =	vst v63  }
0x169: {  	s4 =	simm.s32 $0x6200  }
0x16a: {  	[tilespmem:s4], [sflag:$0x1] =	stream.indirect_vreg.gather [hbm4b:s2+s3], $0x80, v3, vm0, $0xb8;
	[tilespmem:$0x10200] =	vst v63  }
0x16b: {  	s8 =	simm.s32 $0x6A00  }
0x16c: {  	[tilespmem:s8], [sflag:$0x1] =	stream.indirect_vreg.gather [hbm4b:s5+s3], $0x80, v3, vm0, $0xb8;
	[tilespmem:$0x10200] =	vst v63  }
0x16d: {  	s15 =	simm.s32 $0x7200  }
0x16e: {  	[tilespmem:s15], [sflag:$0x1] =	stream.indirect_vreg.gather [hbm4b:s6+s3], $0x80, v3, vm0, $0xb8;
	[tilespmem:$0x10200] =	vst v63  }
0x16f: {  	s25 =	simm.s32 $0x7A00  }
0x170: {  	[tilespmem:s25], [sflag:$0x1] =	stream.indirect_vreg.gather [hbm4b:s7+s3], $0x80, v3, vm0, $0xb8;
	[tilespmem:$0x10200] =	vst v63  }
0x171: {  	_ =	swait.ge [sflag:s20], $0x8000  }
0x172: {  	[sflag:s20] =	ssyncset.done $0x0  }
0x173: {  	s22 =	rddreg [dreg:$0x9];
	[sflag:s20] =	ssyncadd.s32 $0xFFFF8000  }
0x174: {  	[hbm4b:s22+s3] =	stream.linear.scatter [tilespmem:s26], [sflag:$0x4], $0x8000, $0x38;
	[tilespmem:$0x10200] =	vst v63  }
0x175: {  	_ =	swait.ge [sflag:s21], $0x8000  }
0x176: {  	[sflag:s21] =	ssyncset.done $0x0  }
0x177: {  	[sflag:s21] =	ssyncadd.s32 $0xFFFF8000  }
0x178: {  	v3 =	vld [tilespmem:$0xE0];
	_ =	sdelay $0x4  }
0x179: {  	v46 =	vshll.u32 v3, $0x3  }
0x17a: {  	v3 =	vand.u32 $0x7, v3;
	v4 =	vand.u32 $0xFFFFFFC0, v46  }
0x17b: {  	v3 =	vor.u32 v3, v4  }
0x17c: {  	v4 =	vperm.xlane v3, v0;
	_ =	sdelay $0x1  }
0x17d: {  	v4 =	vadd.s32 v1, v4;
	_ =	sdelay $0x4  }
0x17e: {  	[tilespmem:s26], [sflag:$0x2] =	stream.indirect_vreg.gather [hbm4b:s2+s3], $0x80, v4, vm0, $0xb8;
	[tilespmem:$0x10200] =	vst v63  }
0x17f: {  	s1 =	simm.s32 $0x8A00;
	v3 =	vperm.xlane v3, v2  }
0x180: {  	[tilespmem:s1], [sflag:$0x2] =	stream.indirect_vreg.gather [hbm4b:s5+s3], $0x80, v4, vm0, $0xb8;
	[tilespmem:$0x10200] =	vst v63  }
0x181: {  	s0 =	simm.s32 $0x9200;
	v3 =	vadd.s32 v1, v3  }
0x182: {  	[tilespmem:s0], [sflag:$0x2] =	stream.indirect_vreg.gather [hbm4b:s6+s3], $0x80, v4, vm0, $0xb8;
	[tilespmem:$0x10200] =	vst v63  }
0x183: {  	s22 =	simm.s32 $0x9A00  }
0x184: {  	[tilespmem:s22], [sflag:$0x2] =	stream.indirect_vreg.gather [hbm4b:s7+s3], $0x80, v4, vm0, $0xb8;
	[tilespmem:$0x10200] =	vst v63  }
0x185: {  	s10 =	simm.s32 $0xA200  }
0x186: {  	[tilespmem:s10], [sflag:$0x2] =	stream.indirect_vreg.gather [hbm4b:s2+s3], $0x80, v3, vm0, $0xb8;
	[tilespmem:$0x10200] =	vst v63  }
0x187: {  	s22 =	simm.s32 $0xAA00  }
0x188: {  	[tilespmem:s22], [sflag:$0x2] =	stream.indirect_vreg.gather [hbm4b:s5+s3], $0x80, v3, vm0, $0xb8;
	[tilespmem:$0x10200] =	vst v63  }
0x189: {  	s23 =	simm.s32 $0xB200  }
0x18a: {  	[tilespmem:s23], [sflag:$0x2] =	stream.indirect_vreg.gather [hbm4b:s6+s3], $0x80, v3, vm0, $0xb8;
	[tilespmem:$0x10200] =	vst v63  }
0x18b: {  	s22 =	simm.s32 $0xBA00  }
0x18c: {  	[tilespmem:s22], [sflag:$0x2] =	stream.indirect_vreg.gather [hbm4b:s7+s3], $0x80, v3, vm0, $0xb8;
	[tilespmem:$0x10200] =	vst v63  }
0x18d: {  	v3 =	vld [tilespmem:$0xF0];
	_ =	sdelay $0x4  }
0x18e: {  	v47 =	vshll.u32 v3, $0x3  }
0x18f: {  	v3 =	vand.u32 $0x7, v3;
	v4 =	vand.u32 $0xFFFFFFC0, v47  }
0x190: {  	v3 =	vor.u32 v3, v4  }
0x191: {  	v4 =	vperm.xlane v3, v0;
	_ =	sdelay $0x1  }
0x192: {  	v4 =	vadd.s32 v1, v4;
	_ =	sdelay $0x3  }
0x193: {  	s22 =	simm.s32 $0xC200  }
0x194: {  	[tilespmem:s22], [sflag:$0x2] =	stream.indirect_vreg.gather [hbm4b:s2+s3], $0x80, v4, vm0, $0xb8;
	[tilespmem:$0x10200] =	vst v63  }
0x195: {  	v3 =	vperm.xlane v3, v2;
	s22 =	simm.s32 $0xCA00  }
0x196: {  	[tilespmem:s22], [sflag:$0x2] =	stream.indirect_vreg.gather [hbm4b:s5+s3], $0x80, v4, vm0, $0xb8;
	[tilespmem:$0x10200] =	vst v63  }
0x197: {  	s12 =	simm.s32 $0xD200;
	v3 =	vadd.s32 v1, v3  }
0x198: {  	[tilespmem:s12], [sflag:$0x2] =	stream.indirect_vreg.gather [hbm4b:s6+s3], $0x80, v4, vm0, $0xb8;
	[tilespmem:$0x10200] =	vst v63  }
0x199: {  	s13 =	simm.s32 $0xDA00  }
0x19a: {  	[tilespmem:s13], [sflag:$0x2] =	stream.indirect_vreg.gather [hbm4b:s7+s3], $0x80, v4, vm0, $0xb8;
	[tilespmem:$0x10200] =	vst v63  }
0x19b: {  	s14 =	simm.s32 $0xE200  }
0x19c: {  	[tilespmem:s14], [sflag:$0x2] =	stream.indirect_vreg.gather [hbm4b:s2+s3], $0x80, v3, vm0, $0xb8;
	[tilespmem:$0x10200] =	vst v63  }
0x19d: {  	s29 =	simm.s32 $0xEA00  }
0x19e: {  	[tilespmem:s29], [sflag:$0x2] =	stream.indirect_vreg.gather [hbm4b:s5+s3], $0x80, v3, vm0, $0xb8;
	[tilespmem:$0x10200] =	vst v63  }
0x19f: {  	s31 =	simm.s32 $0xF200  }
0x1a0: {  	[tilespmem:s31], [sflag:$0x2] =	stream.indirect_vreg.gather [hbm4b:s6+s3], $0x80, v3, vm0, $0xb8;
	[tilespmem:$0x10200] =	vst v63  }
0x1a1: {  	s11 =	simm.s32 $0xFA00  }
0x1a2: {  	[tilespmem:s11], [sflag:$0x2] =	stream.indirect_vreg.gather [hbm4b:s7+s3], $0x80, v3, vm0, $0xb8;
	[tilespmem:$0x10200] =	vst v63  }
0x1a3: {  	_ =	swait.ge [sflag:s18], $0x8000  }
0x1a4: {  	[sflag:s18] =	ssyncset.done $0x0  }
0x1a5: {  	s22 =	rddreg [dreg:$0xa];
	[sflag:s18] =	ssyncadd.s32 $0xFFFF8000  }
0x1a6: {  	[hbm4b:s22+s3] =	stream.linear.scatter [tilespmem:s9], [sflag:$0x3], $0x8000, $0x38;
	[tilespmem:$0x10200] =	vst v63  }
0x1a7: {  	_ =	swait.ge [sflag:s19], $0x8000  }
0x1a8: {  	[sflag:s19] =	ssyncset.done $0x0  }
0x1a9: {  	[sflag:s19] =	ssyncadd.s32 $0xFFFF8000  }
0x1aa: {  	v3 =	vld [tilespmem:$0x100];
	_ =	sdelay $0x4  }
0x1ab: {  	v48 =	vshll.u32 v3, $0x3  }
0x1ac: {  	v3 =	vand.u32 $0x7, v3;
	v4 =	vand.u32 $0xFFFFFFC0, v48  }
0x1ad: {  	v3 =	vor.u32 v3, v4  }
0x1ae: {  	v4 =	vperm.xlane v3, v0;
	_ =	sdelay $0x1  }
0x1af: {  	v4 =	vadd.s32 v1, v4;
	_ =	sdelay $0x4  }
0x1b0: {  	[tilespmem:s9], [sflag:$0x1] =	stream.indirect_vreg.gather [hbm4b:s2+s3], $0x80, v4, vm0, $0xb8;
	[tilespmem:$0x10200] =	vst v63  }
0x1b1: {  	s16 =	simm.s32 $0xA00;
	v3 =	vperm.xlane v3, v2  }
0x1b2: {  	[tilespmem:s16], [sflag:$0x1] =	stream.indirect_vreg.gather [hbm4b:s5+s3], $0x80, v4, vm0, $0xb8;
	[tilespmem:$0x10200] =	vst v63  }
0x1b3: {  	s22 =	simm.s32 $0x1200;
	v3 =	vadd.s32 v1, v3  }
0x1b4: {  	[tilespmem:s22], [sflag:$0x1] =	stream.indirect_vreg.gather [hbm4b:s6+s3], $0x80, v4, vm0, $0xb8;
	[tilespmem:$0x10200] =	vst v63  }
0x1b5: {  	s22 =	simm.s32 $0x1A00  }
0x1b6: {  	[tilespmem:s22], [sflag:$0x1] =	stream.indirect_vreg.gather [hbm4b:s7+s3], $0x80, v4, vm0, $0xb8;
	[tilespmem:$0x10200] =	vst v63  }
0x1b7: {  	s22 =	simm.s32 $0x2200  }
0x1b8: {  	[tilespmem:s22], [sflag:$0x1] =	stream.indirect_vreg.gather [hbm4b:s2+s3], $0x80, v3, vm0, $0xb8;
	[tilespmem:$0x10200] =	vst v63  }
0x1b9: {  	s22 =	simm.s32 $0x2A00  }
0x1ba: {  	[tilespmem:s22], [sflag:$0x1] =	stream.indirect_vreg.gather [hbm4b:s5+s3], $0x80, v3, vm0, $0xb8;
	[tilespmem:$0x10200] =	vst v63  }
0x1bb: {  	s22 =	simm.s32 $0x3200  }
0x1bc: {  	[tilespmem:s22], [sflag:$0x1] =	stream.indirect_vreg.gather [hbm4b:s6+s3], $0x80, v3, vm0, $0xb8;
	[tilespmem:$0x10200] =	vst v63  }
0x1bd: {  	s22 =	simm.s32 $0x3A00  }
0x1be: {  	[tilespmem:s22], [sflag:$0x1] =	stream.indirect_vreg.gather [hbm4b:s7+s3], $0x80, v3, vm0, $0xb8;
	[tilespmem:$0x10200] =	vst v63  }
0x1bf: {  	v3 =	vld [tilespmem:$0x110];
	_ =	sdelay $0x4  }
0x1c0: {  	v49 =	vshll.u32 v3, $0x3  }
0x1c1: {  	v3 =	vand.u32 $0x7, v3;
	v4 =	vand.u32 $0xFFFFFFC0, v49  }
0x1c2: {  	v3 =	vor.u32 v3, v4  }
0x1c3: {  	v4 =	vperm.xlane v3, v0;
	_ =	sdelay $0x1  }
0x1c4: {  	v4 =	vadd.s32 v1, v4;
	_ =	sdelay $0x3  }
0x1c5: {  	s17 =	simm.s32 $0x4200  }
0x1c6: {  	[tilespmem:s17], [sflag:$0x1] =	stream.indirect_vreg.gather [hbm4b:s2+s3], $0x80, v4, vm0, $0xb8;
	[tilespmem:$0x10200] =	vst v63  }
0x1c7: {  	s24 =	simm.s32 $0x4A00;
	v3 =	vperm.xlane v3, v2  }
0x1c8: {  	[tilespmem:s24], [sflag:$0x1] =	stream.indirect_vreg.gather [hbm4b:s5+s3], $0x80, v4, vm0, $0xb8;
	[tilespmem:$0x10200] =	vst v63  }
0x1c9: {  	s22 =	simm.s32 $0x5200;
	v3 =	vadd.s32 v1, v3  }
0x1ca: {  	[tilespmem:s22], [sflag:$0x1] =	stream.indirect_vreg.gather [hbm4b:s6+s3], $0x80, v4, vm0, $0xb8;
	[tilespmem:$0x10200] =	vst v63  }
0x1cb: {  	s30 =	simm.s32 $0x5A00  }
0x1cc: {  	[tilespmem:s30], [sflag:$0x1] =	stream.indirect_vreg.gather [hbm4b:s7+s3], $0x80, v4, vm0, $0xb8;
	[tilespmem:$0x10200] =	vst v63  }
0x1cd: {  	s4 =	simm.s32 $0x6200  }
0x1ce: {  	[tilespmem:s4], [sflag:$0x1] =	stream.indirect_vreg.gather [hbm4b:s2+s3], $0x80, v3, vm0, $0xb8;
	[tilespmem:$0x10200] =	vst v63  }
0x1cf: {  	s8 =	simm.s32 $0x6A00  }
0x1d0: {  	[tilespmem:s8], [sflag:$0x1] =	stream.indirect_vreg.gather [hbm4b:s5+s3], $0x80, v3, vm0, $0xb8;
	[tilespmem:$0x10200] =	vst v63  }
0x1d1: {  	s15 =	simm.s32 $0x7200  }
0x1d2: {  	[tilespmem:s15], [sflag:$0x1] =	stream.indirect_vreg.gather [hbm4b:s6+s3], $0x80, v3, vm0, $0xb8;
	[tilespmem:$0x10200] =	vst v63  }
0x1d3: {  	s25 =	simm.s32 $0x7A00  }
0x1d4: {  	[tilespmem:s25], [sflag:$0x1] =	stream.indirect_vreg.gather [hbm4b:s7+s3], $0x80, v3, vm0, $0xb8;
	[tilespmem:$0x10200] =	vst v63  }
0x1d5: {  	_ =	swait.ge [sflag:s20], $0x8000  }
0x1d6: {  	[sflag:s20] =	ssyncset.done $0x0  }
0x1d7: {  	s22 =	rddreg [dreg:$0xb];
	[sflag:s20] =	ssyncadd.s32 $0xFFFF8000  }
0x1d8: {  	[hbm4b:s22+s3] =	stream.linear.scatter [tilespmem:s26], [sflag:$0x4], $0x8000, $0x38;
	[tilespmem:$0x10200] =	vst v63  }
0x1d9: {  	_ =	swait.ge [sflag:s21], $0x8000  }
0x1da: {  	[sflag:s21] =	ssyncset.done $0x0  }
0x1db: {  	[sflag:s21] =	ssyncadd.s32 $0xFFFF8000  }
0x1dc: {  	v3 =	vld [tilespmem:$0x120];
	_ =	sdelay $0x4  }
0x1dd: {  	v50 =	vshll.u32 v3, $0x3  }
0x1de: {  	v3 =	vand.u32 $0x7, v3;
	v4 =	vand.u32 $0xFFFFFFC0, v50  }
0x1df: {  	v3 =	vor.u32 v3, v4  }
0x1e0: {  	v4 =	vperm.xlane v3, v0;
	_ =	sdelay $0x1  }
0x1e1: {  	v4 =	vadd.s32 v1, v4;
	_ =	sdelay $0x4  }
0x1e2: {  	[tilespmem:s26], [sflag:$0x2] =	stream.indirect_vreg.gather [hbm4b:s2+s3], $0x80, v4, vm0, $0xb8;
	[tilespmem:$0x10200] =	vst v63  }
0x1e3: {  	s1 =	simm.s32 $0x8A00;
	v3 =	vperm.xlane v3, v2  }
0x1e4: {  	[tilespmem:s1], [sflag:$0x2] =	stream.indirect_vreg.gather [hbm4b:s5+s3], $0x80, v4, vm0, $0xb8;
	[tilespmem:$0x10200] =	vst v63  }
0x1e5: {  	s0 =	simm.s32 $0x9200;
	v3 =	vadd.s32 v1, v3  }
0x1e6: {  	[tilespmem:s0], [sflag:$0x2] =	stream.indirect_vreg.gather [hbm4b:s6+s3], $0x80, v4, vm0, $0xb8;
	[tilespmem:$0x10200] =	vst v63  }
0x1e7: {  	s22 =	simm.s32 $0x9A00  }
0x1e8: {  	[tilespmem:s22], [sflag:$0x2] =	stream.indirect_vreg.gather [hbm4b:s7+s3], $0x80, v4, vm0, $0xb8;
	[tilespmem:$0x10200] =	vst v63  }
0x1e9: {  	s10 =	simm.s32 $0xA200  }
0x1ea: {  	[tilespmem:s10], [sflag:$0x2] =	stream.indirect_vreg.gather [hbm4b:s2+s3], $0x80, v3, vm0, $0xb8;
	[tilespmem:$0x10200] =	vst v63  }
0x1eb: {  	s22 =	simm.s32 $0xAA00  }
0x1ec: {  	[tilespmem:s22], [sflag:$0x2] =	stream.indirect_vreg.gather [hbm4b:s5+s3], $0x80, v3, vm0, $0xb8;
	[tilespmem:$0x10200] =	vst v63  }
0x1ed: {  	s23 =	simm.s32 $0xB200  }
0x1ee: {  	[tilespmem:s23], [sflag:$0x2] =	stream.indirect_vreg.gather [hbm4b:s6+s3], $0x80, v3, vm0, $0xb8;
	[tilespmem:$0x10200] =	vst v63  }
0x1ef: {  	s22 =	simm.s32 $0xBA00  }
0x1f0: {  	[tilespmem:s22], [sflag:$0x2] =	stream.indirect_vreg.gather [hbm4b:s7+s3], $0x80, v3, vm0, $0xb8;
	[tilespmem:$0x10200] =	vst v63  }
0x1f1: {  	v3 =	vld [tilespmem:$0x130];
	_ =	sdelay $0x4  }
0x1f2: {  	v51 =	vshll.u32 v3, $0x3  }
0x1f3: {  	v3 =	vand.u32 $0x7, v3;
	v4 =	vand.u32 $0xFFFFFFC0, v51  }
0x1f4: {  	v3 =	vor.u32 v3, v4  }
0x1f5: {  	v4 =	vperm.xlane v3, v0;
	_ =	sdelay $0x1  }
0x1f6: {  	v4 =	vadd.s32 v1, v4;
	_ =	sdelay $0x3  }
0x1f7: {  	s22 =	simm.s32 $0xC200  }
0x1f8: {  	[tilespmem:s22], [sflag:$0x2] =	stream.indirect_vreg.gather [hbm4b:s2+s3], $0x80, v4, vm0, $0xb8;
	[tilespmem:$0x10200] =	vst v63  }
0x1f9: {  	v3 =	vperm.xlane v3, v2;
	s22 =	simm.s32 $0xCA00  }
0x1fa: {  	[tilespmem:s22], [sflag:$0x2] =	stream.indirect_vreg.gather [hbm4b:s5+s3], $0x80, v4, vm0, $0xb8;
	[tilespmem:$0x10200] =	vst v63  }
0x1fb: {  	s12 =	simm.s32 $0xD200;
	v3 =	vadd.s32 v1, v3  }
0x1fc: {  	[tilespmem:s12], [sflag:$0x2] =	stream.indirect_vreg.gather [hbm4b:s6+s3], $0x80, v4, vm0, $0xb8;
	[tilespmem:$0x10200] =	vst v63  }
0x1fd: {  	s13 =	simm.s32 $0xDA00  }
0x1fe: {  	[tilespmem:s13], [sflag:$0x2] =	stream.indirect_vreg.gather [hbm4b:s7+s3], $0x80, v4, vm0, $0xb8;
	[tilespmem:$0x10200] =	vst v63  }
0x1ff: {  	s14 =	simm.s32 $0xE200  }
0x200: {  	[tilespmem:s14], [sflag:$0x2] =	stream.indirect_vreg.gather [hbm4b:s2+s3], $0x80, v3, vm0, $0xb8;
	[tilespmem:$0x10200] =	vst v63  }
0x201: {  	s29 =	simm.s32 $0xEA00  }
0x202: {  	[tilespmem:s29], [sflag:$0x2] =	stream.indirect_vreg.gather [hbm4b:s5+s3], $0x80, v3, vm0, $0xb8;
	[tilespmem:$0x10200] =	vst v63  }
0x203: {  	s31 =	simm.s32 $0xF200  }
0x204: {  	[tilespmem:s31], [sflag:$0x2] =	stream.indirect_vreg.gather [hbm4b:s6+s3], $0x80, v3, vm0, $0xb8;
	[tilespmem:$0x10200] =	vst v63  }
0x205: {  	s11 =	simm.s32 $0xFA00  }
0x206: {  	[tilespmem:s11], [sflag:$0x2] =	stream.indirect_vreg.gather [hbm4b:s7+s3], $0x80, v3, vm0, $0xb8;
	[tilespmem:$0x10200] =	vst v63  }
0x207: {  	_ =	swait.ge [sflag:s18], $0x8000  }
0x208: {  	[sflag:s18] =	ssyncset.done $0x0  }
0x209: {  	s22 =	rddreg [dreg:$0xc];
	[sflag:s18] =	ssyncadd.s32 $0xFFFF8000  }
0x20a: {  	[hbm4b:s22+s3] =	stream.linear.scatter [tilespmem:s9], [sflag:$0x3], $0x8000, $0x38;
	[tilespmem:$0x10200] =	vst v63  }
0x20b: {  	_ =	swait.ge [sflag:s19], $0x8000  }
0x20c: {  	[sflag:s19] =	ssyncset.done $0x0  }
0x20d: {  	[sflag:s19] =	ssyncadd.s32 $0xFFFF8000  }
0x20e: {  	v3 =	vld [tilespmem:$0x140];
	_ =	sdelay $0x4  }
0x20f: {  	v52 =	vshll.u32 v3, $0x3  }
0x210: {  	v3 =	vand.u32 $0x7, v3;
	v4 =	vand.u32 $0xFFFFFFC0, v52  }
0x211: {  	v3 =	vor.u32 v3, v4  }
0x212: {  	v4 =	vperm.xlane v3, v0;
	_ =	sdelay $0x1  }
0x213: {  	v4 =	vadd.s32 v1, v4;
	_ =	sdelay $0x4  }
0x214: {  	[tilespmem:s9], [sflag:$0x1] =	stream.indirect_vreg.gather [hbm4b:s2+s3], $0x80, v4, vm0, $0xb8;
	[tilespmem:$0x10200] =	vst v63  }
0x215: {  	s16 =	simm.s32 $0xA00;
	v3 =	vperm.xlane v3, v2  }
0x216: {  	[tilespmem:s16], [sflag:$0x1] =	stream.indirect_vreg.gather [hbm4b:s5+s3], $0x80, v4, vm0, $0xb8;
	[tilespmem:$0x10200] =	vst v63  }
0x217: {  	s22 =	simm.s32 $0x1200;
	v3 =	vadd.s32 v1, v3  }
0x218: {  	[tilespmem:s22], [sflag:$0x1] =	stream.indirect_vreg.gather [hbm4b:s6+s3], $0x80, v4, vm0, $0xb8;
	[tilespmem:$0x10200] =	vst v63  }
0x219: {  	s22 =	simm.s32 $0x1A00  }
0x21a: {  	[tilespmem:s22], [sflag:$0x1] =	stream.indirect_vreg.gather [hbm4b:s7+s3], $0x80, v4, vm0, $0xb8;
	[tilespmem:$0x10200] =	vst v63  }
0x21b: {  	s22 =	simm.s32 $0x2200  }
0x21c: {  	[tilespmem:s22], [sflag:$0x1] =	stream.indirect_vreg.gather [hbm4b:s2+s3], $0x80, v3, vm0, $0xb8;
	[tilespmem:$0x10200] =	vst v63  }
0x21d: {  	s22 =	simm.s32 $0x2A00  }
0x21e: {  	[tilespmem:s22], [sflag:$0x1] =	stream.indirect_vreg.gather [hbm4b:s5+s3], $0x80, v3, vm0, $0xb8;
	[tilespmem:$0x10200] =	vst v63  }
0x21f: {  	s22 =	simm.s32 $0x3200  }
0x220: {  	[tilespmem:s22], [sflag:$0x1] =	stream.indirect_vreg.gather [hbm4b:s6+s3], $0x80, v3, vm0, $0xb8;
	[tilespmem:$0x10200] =	vst v63  }
0x221: {  	s22 =	simm.s32 $0x3A00  }
0x222: {  	[tilespmem:s22], [sflag:$0x1] =	stream.indirect_vreg.gather [hbm4b:s7+s3], $0x80, v3, vm0, $0xb8;
	[tilespmem:$0x10200] =	vst v63  }
0x223: {  	v3 =	vld [tilespmem:$0x150];
	_ =	sdelay $0x4  }
0x224: {  	v53 =	vshll.u32 v3, $0x3  }
0x225: {  	v3 =	vand.u32 $0x7, v3;
	v4 =	vand.u32 $0xFFFFFFC0, v53  }
0x226: {  	v3 =	vor.u32 v3, v4  }
0x227: {  	v4 =	vperm.xlane v3, v0;
	_ =	sdelay $0x1  }
0x228: {  	v4 =	vadd.s32 v1, v4;
	_ =	sdelay $0x3  }
0x229: {  	s17 =	simm.s32 $0x4200  }
0x22a: {  	[tilespmem:s17], [sflag:$0x1] =	stream.indirect_vreg.gather [hbm4b:s2+s3], $0x80, v4, vm0, $0xb8;
	[tilespmem:$0x10200] =	vst v63  }
0x22b: {  	s24 =	simm.s32 $0x4A00;
	v3 =	vperm.xlane v3, v2  }
0x22c: {  	[tilespmem:s24], [sflag:$0x1] =	stream.indirect_vreg.gather [hbm4b:s5+s3], $0x80, v4, vm0, $0xb8;
	[tilespmem:$0x10200] =	vst v63  }
0x22d: {  	s22 =	simm.s32 $0x5200;
	v3 =	vadd.s32 v1, v3  }
0x22e: {  	[tilespmem:s22], [sflag:$0x1] =	stream.indirect_vreg.gather [hbm4b:s6+s3], $0x80, v4, vm0, $0xb8;
	[tilespmem:$0x10200] =	vst v63  }
0x22f: {  	s30 =	simm.s32 $0x5A00  }
0x230: {  	[tilespmem:s30], [sflag:$0x1] =	stream.indirect_vreg.gather [hbm4b:s7+s3], $0x80, v4, vm0, $0xb8;
	[tilespmem:$0x10200] =	vst v63  }
0x231: {  	s4 =	simm.s32 $0x6200  }
0x232: {  	[tilespmem:s4], [sflag:$0x1] =	stream.indirect_vreg.gather [hbm4b:s2+s3], $0x80, v3, vm0, $0xb8;
	[tilespmem:$0x10200] =	vst v63  }
0x233: {  	s8 =	simm.s32 $0x6A00  }
0x234: {  	[tilespmem:s8], [sflag:$0x1] =	stream.indirect_vreg.gather [hbm4b:s5+s3], $0x80, v3, vm0, $0xb8;
	[tilespmem:$0x10200] =	vst v63  }
0x235: {  	s15 =	simm.s32 $0x7200  }
0x236: {  	[tilespmem:s15], [sflag:$0x1] =	stream.indirect_vreg.gather [hbm4b:s6+s3], $0x80, v3, vm0, $0xb8;
	[tilespmem:$0x10200] =	vst v63  }
0x237: {  	s25 =	simm.s32 $0x7A00  }
0x238: {  	[tilespmem:s25], [sflag:$0x1] =	stream.indirect_vreg.gather [hbm4b:s7+s3], $0x80, v3, vm0, $0xb8;
	[tilespmem:$0x10200] =	vst v63  }
0x239: {  	_ =	swait.ge [sflag:s20], $0x8000  }
0x23a: {  	[sflag:s20] =	ssyncset.done $0x0  }
0x23b: {  	s22 =	rddreg [dreg:$0xd];
	[sflag:s20] =	ssyncadd.s32 $0xFFFF8000  }
0x23c: {  	[hbm4b:s22+s3] =	stream.linear.scatter [tilespmem:s26], [sflag:$0x4], $0x8000, $0x38;
	[tilespmem:$0x10200] =	vst v63  }
0x23d: {  	_ =	swait.ge [sflag:s21], $0x8000  }
0x23e: {  	[sflag:s21] =	ssyncset.done $0x0  }
0x23f: {  	[sflag:s21] =	ssyncadd.s32 $0xFFFF8000  }
0x240: {  	v3 =	vld [tilespmem:$0x160];
	_ =	sdelay $0x4  }
0x241: {  	v54 =	vshll.u32 v3, $0x3  }
0x242: {  	v3 =	vand.u32 $0x7, v3;
	v4 =	vand.u32 $0xFFFFFFC0, v54  }
0x243: {  	v3 =	vor.u32 v3, v4  }
0x244: {  	v4 =	vperm.xlane v3, v0;
	_ =	sdelay $0x1  }
0x245: {  	v4 =	vadd.s32 v1, v4;
	_ =	sdelay $0x4  }
0x246: {  	[tilespmem:s26], [sflag:$0x2] =	stream.indirect_vreg.gather [hbm4b:s2+s3], $0x80, v4, vm0, $0xb8;
	[tilespmem:$0x10200] =	vst v63  }
0x247: {  	s1 =	simm.s32 $0x8A00;
	v3 =	vperm.xlane v3, v2  }
0x248: {  	[tilespmem:s1], [sflag:$0x2] =	stream.indirect_vreg.gather [hbm4b:s5+s3], $0x80, v4, vm0, $0xb8;
	[tilespmem:$0x10200] =	vst v63  }
0x249: {  	s0 =	simm.s32 $0x9200;
	v3 =	vadd.s32 v1, v3  }
0x24a: {  	[tilespmem:s0], [sflag:$0x2] =	stream.indirect_vreg.gather [hbm4b:s6+s3], $0x80, v4, vm0, $0xb8;
	[tilespmem:$0x10200] =	vst v63  }
0x24b: {  	s22 =	simm.s32 $0x9A00  }
0x24c: {  	[tilespmem:s22], [sflag:$0x2] =	stream.indirect_vreg.gather [hbm4b:s7+s3], $0x80, v4, vm0, $0xb8;
	[tilespmem:$0x10200] =	vst v63  }
0x24d: {  	s10 =	simm.s32 $0xA200  }
0x24e: {  	[tilespmem:s10], [sflag:$0x2] =	stream.indirect_vreg.gather [hbm4b:s2+s3], $0x80, v3, vm0, $0xb8;
	[tilespmem:$0x10200] =	vst v63  }
0x24f: {  	s22 =	simm.s32 $0xAA00  }
0x250: {  	[tilespmem:s22], [sflag:$0x2] =	stream.indirect_vreg.gather [hbm4b:s5+s3], $0x80, v3, vm0, $0xb8;
	[tilespmem:$0x10200] =	vst v63  }
0x251: {  	s23 =	simm.s32 $0xB200  }
0x252: {  	[tilespmem:s23], [sflag:$0x2] =	stream.indirect_vreg.gather [hbm4b:s6+s3], $0x80, v3, vm0, $0xb8;
	[tilespmem:$0x10200] =	vst v63  }
0x253: {  	s22 =	simm.s32 $0xBA00  }
0x254: {  	[tilespmem:s22], [sflag:$0x2] =	stream.indirect_vreg.gather [hbm4b:s7+s3], $0x80, v3, vm0, $0xb8;
	[tilespmem:$0x10200] =	vst v63  }
0x255: {  	v3 =	vld [tilespmem:$0x170];
	_ =	sdelay $0x4  }
0x256: {  	v55 =	vshll.u32 v3, $0x3  }
0x257: {  	v3 =	vand.u32 $0x7, v3;
	v4 =	vand.u32 $0xFFFFFFC0, v55  }
0x258: {  	v3 =	vor.u32 v3, v4  }
0x259: {  	v4 =	vperm.xlane v3, v0;
	_ =	sdelay $0x1  }
0x25a: {  	v4 =	vadd.s32 v1, v4;
	_ =	sdelay $0x3  }
0x25b: {  	s22 =	simm.s32 $0xC200  }
0x25c: {  	[tilespmem:s22], [sflag:$0x2] =	stream.indirect_vreg.gather [hbm4b:s2+s3], $0x80, v4, vm0, $0xb8;
	[tilespmem:$0x10200] =	vst v63  }
0x25d: {  	v3 =	vperm.xlane v3, v2;
	s22 =	simm.s32 $0xCA00  }
0x25e: {  	[tilespmem:s22], [sflag:$0x2] =	stream.indirect_vreg.gather [hbm4b:s5+s3], $0x80, v4, vm0, $0xb8;
	[tilespmem:$0x10200] =	vst v63  }
0x25f: {  	s12 =	simm.s32 $0xD200;
	v3 =	vadd.s32 v1, v3  }
0x260: {  	[tilespmem:s12], [sflag:$0x2] =	stream.indirect_vreg.gather [hbm4b:s6+s3], $0x80, v4, vm0, $0xb8;
	[tilespmem:$0x10200] =	vst v63  }
0x261: {  	s13 =	simm.s32 $0xDA00  }
0x262: {  	[tilespmem:s13], [sflag:$0x2] =	stream.indirect_vreg.gather [hbm4b:s7+s3], $0x80, v4, vm0, $0xb8;
	[tilespmem:$0x10200] =	vst v63  }
0x263: {  	s14 =	simm.s32 $0xE200  }
0x264: {  	[tilespmem:s14], [sflag:$0x2] =	stream.indirect_vreg.gather [hbm4b:s2+s3], $0x80, v3, vm0, $0xb8;
	[tilespmem:$0x10200] =	vst v63  }
0x265: {  	s29 =	simm.s32 $0xEA00  }
0x266: {  	[tilespmem:s29], [sflag:$0x2] =	stream.indirect_vreg.gather [hbm4b:s5+s3], $0x80, v3, vm0, $0xb8;
	[tilespmem:$0x10200] =	vst v63  }
0x267: {  	s31 =	simm.s32 $0xF200  }
0x268: {  	[tilespmem:s31], [sflag:$0x2] =	stream.indirect_vreg.gather [hbm4b:s6+s3], $0x80, v3, vm0, $0xb8;
	[tilespmem:$0x10200] =	vst v63  }
0x269: {  	s11 =	simm.s32 $0xFA00  }
0x26a: {  	[tilespmem:s11], [sflag:$0x2] =	stream.indirect_vreg.gather [hbm4b:s7+s3], $0x80, v3, vm0, $0xb8;
	[tilespmem:$0x10200] =	vst v63  }
0x26b: {  	_ =	swait.ge [sflag:s18], $0x8000  }
0x26c: {  	[sflag:s18] =	ssyncset.done $0x0  }
0x26d: {  	s11 =	rddreg [dreg:$0xe];
	[sflag:s18] =	ssyncadd.s32 $0xFFFF8000  }
0x26e: {  	[hbm4b:s11+s3] =	stream.linear.scatter [tilespmem:s9], [sflag:$0x3], $0x8000, $0x38;
	[tilespmem:$0x10200] =	vst v63  }
0x26f: {  	_ =	swait.ge [sflag:s19], $0x8000  }
0x270: {  	[sflag:s19] =	ssyncset.done $0x0  }
0x271: {  	[sflag:s19] =	ssyncadd.s32 $0xFFFF8000  }
0x272: {  	v3 =	vld [tilespmem:$0x180];
	_ =	sdelay $0x4  }
0x273: {  	v56 =	vshll.u32 v3, $0x3  }
0x274: {  	v3 =	vand.u32 $0x7, v3;
	v4 =	vand.u32 $0xFFFFFFC0, v56  }
0x275: {  	v3 =	vor.u32 v3, v4  }
0x276: {  	v4 =	vperm.xlane v3, v0;
	_ =	sdelay $0x1  }
0x277: {  	v4 =	vadd.s32 v1, v4;
	_ =	sdelay $0x4  }
0x278: {  	[tilespmem:s9], [sflag:$0x1] =	stream.indirect_vreg.gather [hbm4b:s2+s3], $0x80, v4, vm0, $0xb8;
	[tilespmem:$0x10200] =	vst v63  }
0x279: {  	s16 =	simm.s32 $0xA00;
	v3 =	vperm.xlane v3, v2  }
0x27a: {  	[tilespmem:s16], [sflag:$0x1] =	stream.indirect_vreg.gather [hbm4b:s5+s3], $0x80, v4, vm0, $0xb8;
	[tilespmem:$0x10200] =	vst v63  }
0x27b: {  	s12 =	simm.s32 $0x1200;
	v3 =	vadd.s32 v1, v3  }
0x27c: {  	[tilespmem:s12], [sflag:$0x1] =	stream.indirect_vreg.gather [hbm4b:s6+s3], $0x80, v4, vm0, $0xb8;
	[tilespmem:$0x10200] =	vst v63  }
0x27d: {  	s16 =	simm.s32 $0x1A00  }
0x27e: {  	[tilespmem:s16], [sflag:$0x1] =	stream.indirect_vreg.gather [hbm4b:s7+s3], $0x80, v4, vm0, $0xb8;
	[tilespmem:$0x10200] =	vst v63  }
0x27f: {  	s22 =	simm.s32 $0x2200  }
0x280: {  	[tilespmem:s22], [sflag:$0x1] =	stream.indirect_vreg.gather [hbm4b:s2+s3], $0x80, v3, vm0, $0xb8;
	[tilespmem:$0x10200] =	vst v63  }
0x281: {  	s12 =	simm.s32 $0x2A00  }
0x282: {  	[tilespmem:s12], [sflag:$0x1] =	stream.indirect_vreg.gather [hbm4b:s5+s3], $0x80, v3, vm0, $0xb8;
	[tilespmem:$0x10200] =	vst v63  }
0x283: {  	s16 =	simm.s32 $0x3200  }
0x284: {  	[tilespmem:s16], [sflag:$0x1] =	stream.indirect_vreg.gather [hbm4b:s6+s3], $0x80, v3, vm0, $0xb8;
	[tilespmem:$0x10200] =	vst v63  }
0x285: {  	s22 =	simm.s32 $0x3A00  }
0x286: {  	[tilespmem:s22], [sflag:$0x1] =	stream.indirect_vreg.gather [hbm4b:s7+s3], $0x80, v3, vm0, $0xb8;
	[tilespmem:$0x10200] =	vst v63  }
0x287: {  	v3 =	vld [tilespmem:$0x190];
	_ =	sdelay $0x4  }
0x288: {  	v57 =	vshll.u32 v3, $0x3  }
0x289: {  	v3 =	vand.u32 $0x7, v3;
	v4 =	vand.u32 $0xFFFFFFC0, v57  }
0x28a: {  	v3 =	vor.u32 v3, v4  }
0x28b: {  	v4 =	vperm.xlane v3, v0;
	_ =	sdelay $0x1  }
0x28c: {  	v4 =	vadd.s32 v1, v4;
	_ =	sdelay $0x3  }
0x28d: {  	s17 =	simm.s32 $0x4200  }
0x28e: {  	[tilespmem:s17], [sflag:$0x1] =	stream.indirect_vreg.gather [hbm4b:s2+s3], $0x80, v4, vm0, $0xb8;
	[tilespmem:$0x10200] =	vst v63  }
0x28f: {  	s24 =	simm.s32 $0x4A00;
	v3 =	vperm.xlane v3, v2  }
0x290: {  	[tilespmem:s24], [sflag:$0x1] =	stream.indirect_vreg.gather [hbm4b:s5+s3], $0x80, v4, vm0, $0xb8;
	[tilespmem:$0x10200] =	vst v63  }
0x291: {  	v3 =	vadd.s32 v1, v3;
	s24 =	simm.s32 $0x5200  }
0x292: {  	[tilespmem:s24], [sflag:$0x1] =	stream.indirect_vreg.gather [hbm4b:s6+s3], $0x80, v4, vm0, $0xb8;
	[tilespmem:$0x10200] =	vst v63  }
0x293: {  	s30 =	simm.s32 $0x5A00  }
0x294: {  	[tilespmem:s30], [sflag:$0x1] =	stream.indirect_vreg.gather [hbm4b:s7+s3], $0x80, v4, vm0, $0xb8;
	[tilespmem:$0x10200] =	vst v63  }
0x295: {  	s4 =	simm.s32 $0x6200  }
0x296: {  	[tilespmem:s4], [sflag:$0x1] =	stream.indirect_vreg.gather [hbm4b:s2+s3], $0x80, v3, vm0, $0xb8;
	[tilespmem:$0x10200] =	vst v63  }
0x297: {  	s8 =	simm.s32 $0x6A00  }
0x298: {  	[tilespmem:s8], [sflag:$0x1] =	stream.indirect_vreg.gather [hbm4b:s5+s3], $0x80, v3, vm0, $0xb8;
	[tilespmem:$0x10200] =	vst v63  }
0x299: {  	s15 =	simm.s32 $0x7200  }
0x29a: {  	[tilespmem:s15], [sflag:$0x1] =	stream.indirect_vreg.gather [hbm4b:s6+s3], $0x80, v3, vm0, $0xb8;
	[tilespmem:$0x10200] =	vst v63  }
0x29b: {  	s25 =	simm.s32 $0x7A00  }
0x29c: {  	[tilespmem:s25], [sflag:$0x1] =	stream.indirect_vreg.gather [hbm4b:s7+s3], $0x80, v3, vm0, $0xb8;
	[tilespmem:$0x10200] =	vst v63  }
0x29d: {  	_ =	swait.ge [sflag:s20], $0x8000  }
0x29e: {  	[sflag:s20] =	ssyncset.done $0x0  }
0x29f: {  	s12 =	rddreg [dreg:$0xf];
	[sflag:s20] =	ssyncadd.s32 $0xFFFF8000  }
0x2a0: {  	[hbm4b:s12+s3] =	stream.linear.scatter [tilespmem:s26], [sflag:$0x4], $0x8000, $0x38;
	[tilespmem:$0x10200] =	vst v63  }
0x2a1: {  	_ =	swait.ge [sflag:s21], $0x8000  }
0x2a2: {  	[sflag:s21] =	ssyncset.done $0x0  }
0x2a3: {  	[sflag:s21] =	ssyncadd.s32 $0xFFFF8000  }
0x2a4: {  	v3 =	vld [tilespmem:$0x1A0];
	_ =	sdelay $0x4  }
0x2a5: {  	v58 =	vshll.u32 v3, $0x3  }
0x2a6: {  	v3 =	vand.u32 $0x7, v3;
	v4 =	vand.u32 $0xFFFFFFC0, v58  }
0x2a7: {  	v3 =	vor.u32 v3, v4  }
0x2a8: {  	v4 =	vperm.xlane v3, v0;
	_ =	sdelay $0x1  }
0x2a9: {  	v4 =	vadd.s32 v1, v4;
	_ =	sdelay $0x4  }
0x2aa: {  	[tilespmem:s26], [sflag:$0x2] =	stream.indirect_vreg.gather [hbm4b:s2+s3], $0x80, v4, vm0, $0xb8;
	[tilespmem:$0x10200] =	vst v63  }
0x2ab: {  	s1 =	simm.s32 $0x8A00;
	v3 =	vperm.xlane v3, v2  }
0x2ac: {  	[tilespmem:s1], [sflag:$0x2] =	stream.indirect_vreg.gather [hbm4b:s5+s3], $0x80, v4, vm0, $0xb8;
	[tilespmem:$0x10200] =	vst v63  }
0x2ad: {  	s22 =	simm.s32 $0x9200;
	v3 =	vadd.s32 v1, v3  }
0x2ae: {  	[tilespmem:s22], [sflag:$0x2] =	stream.indirect_vreg.gather [hbm4b:s6+s3], $0x80, v4, vm0, $0xb8;
	[tilespmem:$0x10200] =	vst v63  }
0x2af: {  	s25 =	simm.s32 $0x9A00  }
0x2b0: {  	[tilespmem:s25], [sflag:$0x2] =	stream.indirect_vreg.gather [hbm4b:s7+s3], $0x80, v4, vm0, $0xb8;
	[tilespmem:$0x10200] =	vst v63  }
0x2b1: {  	s10 =	simm.s32 $0xA200  }
0x2b2: {  	[tilespmem:s10], [sflag:$0x2] =	stream.indirect_vreg.gather [hbm4b:s2+s3], $0x80, v3, vm0, $0xb8;
	[tilespmem:$0x10200] =	vst v63  }
0x2b3: {  	s22 =	simm.s32 $0xAA00  }
0x2b4: {  	[tilespmem:s22], [sflag:$0x2] =	stream.indirect_vreg.gather [hbm4b:s5+s3], $0x80, v3, vm0, $0xb8;
	[tilespmem:$0x10200] =	vst v63  }
0x2b5: {  	s23 =	simm.s32 $0xB200  }
0x2b6: {  	[tilespmem:s23], [sflag:$0x2] =	stream.indirect_vreg.gather [hbm4b:s6+s3], $0x80, v3, vm0, $0xb8;
	[tilespmem:$0x10200] =	vst v63  }
0x2b7: {  	s23 =	simm.s32 $0xBA00  }
0x2b8: {  	[tilespmem:s23], [sflag:$0x2] =	stream.indirect_vreg.gather [hbm4b:s7+s3], $0x80, v3, vm0, $0xb8;
	[tilespmem:$0x10200] =	vst v63  }
0x2b9: {  	v3 =	vld [tilespmem:$0x1B0];
	_ =	sdelay $0x4  }
0x2ba: {  	v59 =	vshll.u32 v3, $0x3  }
0x2bb: {  	v3 =	vand.u32 $0x7, v3;
	v4 =	vand.u32 $0xFFFFFFC0, v59  }
0x2bc: {  	v3 =	vor.u32 v3, v4  }
0x2bd: {  	v4 =	vperm.xlane v3, v0;
	_ =	sdelay $0x1  }
0x2be: {  	v4 =	vadd.s32 v1, v4;
	_ =	sdelay $0x3  }
0x2bf: {  	s23 =	simm.s32 $0xC200  }
0x2c0: {  	[tilespmem:s23], [sflag:$0x2] =	stream.indirect_vreg.gather [hbm4b:s2+s3], $0x80, v4, vm0, $0xb8;
	[tilespmem:$0x10200] =	vst v63  }
0x2c1: {  	v3 =	vperm.xlane v3, v2;
	s23 =	simm.s32 $0xCA00  }
0x2c2: {  	[tilespmem:s23], [sflag:$0x2] =	stream.indirect_vreg.gather [hbm4b:s5+s3], $0x80, v4, vm0, $0xb8;
	[tilespmem:$0x10200] =	vst v63  }
0x2c3: {  	v3 =	vadd.s32 v1, v3;
	s23 =	simm.s32 $0xD200  }
0x2c4: {  	[tilespmem:s23], [sflag:$0x2] =	stream.indirect_vreg.gather [hbm4b:s6+s3], $0x80, v4, vm0, $0xb8;
	[tilespmem:$0x10200] =	vst v63  }
0x2c5: {  	s13 =	simm.s32 $0xDA00  }
0x2c6: {  	[tilespmem:s13], [sflag:$0x2] =	stream.indirect_vreg.gather [hbm4b:s7+s3], $0x80, v4, vm0, $0xb8;
	[tilespmem:$0x10200] =	vst v63  }
0x2c7: {  	s14 =	simm.s32 $0xE200  }
0x2c8: {  	[tilespmem:s14], [sflag:$0x2] =	stream.indirect_vreg.gather [hbm4b:s2+s3], $0x80, v3, vm0, $0xb8;
	[tilespmem:$0x10200] =	vst v63  }
0x2c9: {  	s29 =	simm.s32 $0xEA00  }
0x2ca: {  	[tilespmem:s29], [sflag:$0x2] =	stream.indirect_vreg.gather [hbm4b:s5+s3], $0x80, v3, vm0, $0xb8;
	[tilespmem:$0x10200] =	vst v63  }
0x2cb: {  	s31 =	simm.s32 $0xF200  }
0x2cc: {  	[tilespmem:s31], [sflag:$0x2] =	stream.indirect_vreg.gather [hbm4b:s6+s3], $0x80, v3, vm0, $0xb8;
	[tilespmem:$0x10200] =	vst v63  }
0x2cd: {  	s22 =	simm.s32 $0xFA00  }
0x2ce: {  	[tilespmem:s22], [sflag:$0x2] =	stream.indirect_vreg.gather [hbm4b:s7+s3], $0x80, v3, vm0, $0xb8;
	[tilespmem:$0x10200] =	vst v63  }
0x2cf: {  	_ =	swait.ge [sflag:s18], $0x8000  }
0x2d0: {  	[sflag:s18] =	ssyncset.done $0x0  }
0x2d1: {  	s22 =	rddreg [dreg:$0x10];
	[sflag:s18] =	ssyncadd.s32 $0xFFFF8000  }
0x2d2: {  	[hbm4b:s22+s3] =	stream.linear.scatter [tilespmem:s9], [sflag:$0x3], $0x8000, $0x38;
	[tilespmem:$0x10200] =	vst v63  }
0x2d3: {  	_ =	swait.ge [sflag:s19], $0x8000  }
0x2d4: {  	[sflag:s19] =	ssyncset.done $0x0  }
0x2d5: {  	[sflag:s19] =	ssyncadd.s32 $0xFFFF8000  }
0x2d6: {  	v3 =	vld [tilespmem:$0x1C0];
	_ =	sdelay $0x4  }
0x2d7: {  	v60 =	vshll.u32 v3, $0x3  }
0x2d8: {  	v3 =	vand.u32 $0x7, v3;
	v4 =	vand.u32 $0xFFFFFFC0, v60  }
0x2d9: {  	v3 =	vor.u32 v3, v4  }
0x2da: {  	v4 =	vperm.xlane v3, v0;
	_ =	sdelay $0x1  }
0x2db: {  	v4 =	vadd.s32 v1, v4;
	_ =	sdelay $0x4  }
0x2dc: {  	[tilespmem:s9], [sflag:$0x1] =	stream.indirect_vreg.gather [hbm4b:s2+s3], $0x80, v4, vm0, $0xb8;
	[tilespmem:$0x10200] =	vst v63  }
0x2dd: {  	s0 =	simm.s32 $0xA00;
	v3 =	vperm.xlane v3, v2  }
0x2de: {  	[tilespmem:s0], [sflag:$0x1] =	stream.indirect_vreg.gather [hbm4b:s5+s3], $0x80, v4, vm0, $0xb8;
	[tilespmem:$0x10200] =	vst v63  }
0x2df: {  	s22 =	simm.s32 $0x1200;
	v3 =	vadd.s32 v1, v3  }
0x2e0: {  	[tilespmem:s22], [sflag:$0x1] =	stream.indirect_vreg.gather [hbm4b:s6+s3], $0x80, v4, vm0, $0xb8;
	[tilespmem:$0x10200] =	vst v63  }
0x2e1: {  	s22 =	simm.s32 $0x1A00  }
0x2e2: {  	[tilespmem:s22], [sflag:$0x1] =	stream.indirect_vreg.gather [hbm4b:s7+s3], $0x80, v4, vm0, $0xb8;
	[tilespmem:$0x10200] =	vst v63  }
0x2e3: {  	s22 =	simm.s32 $0x2200  }
0x2e4: {  	[tilespmem:s22], [sflag:$0x1] =	stream.indirect_vreg.gather [hbm4b:s2+s3], $0x80, v3, vm0, $0xb8;
	[tilespmem:$0x10200] =	vst v63  }
0x2e5: {  	s22 =	simm.s32 $0x2A00  }
0x2e6: {  	[tilespmem:s22], [sflag:$0x1] =	stream.indirect_vreg.gather [hbm4b:s5+s3], $0x80, v3, vm0, $0xb8;
	[tilespmem:$0x10200] =	vst v63  }
0x2e7: {  	s22 =	simm.s32 $0x3200  }
0x2e8: {  	[tilespmem:s22], [sflag:$0x1] =	stream.indirect_vreg.gather [hbm4b:s6+s3], $0x80, v3, vm0, $0xb8;
	[tilespmem:$0x10200] =	vst v63  }
0x2e9: {  	s22 =	simm.s32 $0x3A00  }
0x2ea: {  	[tilespmem:s22], [sflag:$0x1] =	stream.indirect_vreg.gather [hbm4b:s7+s3], $0x80, v3, vm0, $0xb8;
	[tilespmem:$0x10200] =	vst v63  }
0x2eb: {  	v3 =	vld [tilespmem:$0x1D0];
	_ =	sdelay $0x4  }
0x2ec: {  	v61 =	vshll.u32 v3, $0x3  }
0x2ed: {  	v3 =	vand.u32 $0x7, v3;
	v4 =	vand.u32 $0xFFFFFFC0, v61  }
0x2ee: {  	v3 =	vor.u32 v3, v4  }
0x2ef: {  	v4 =	vperm.xlane v3, v0;
	_ =	sdelay $0x1  }
0x2f0: {  	v4 =	vadd.s32 v1, v4;
	_ =	sdelay $0x3  }
0x2f1: {  	s16 =	simm.s32 $0x4200  }
0x2f2: {  	[tilespmem:s16], [sflag:$0x1] =	stream.indirect_vreg.gather [hbm4b:s2+s3], $0x80, v4, vm0, $0xb8;
	[tilespmem:$0x10200] =	vst v63  }
0x2f3: {  	s17 =	simm.s32 $0x4A00;
	v3 =	vperm.xlane v3, v2  }
0x2f4: {  	[tilespmem:s17], [sflag:$0x1] =	stream.indirect_vreg.gather [hbm4b:s5+s3], $0x80, v4, vm0, $0xb8;
	[tilespmem:$0x10200] =	vst v63  }
0x2f5: {  	s22 =	simm.s32 $0x5200;
	v3 =	vadd.s32 v1, v3  }
0x2f6: {  	[tilespmem:s22], [sflag:$0x1] =	stream.indirect_vreg.gather [hbm4b:s6+s3], $0x80, v4, vm0, $0xb8;
	[tilespmem:$0x10200] =	vst v63  }
0x2f7: {  	s24 =	simm.s32 $0x5A00  }
0x2f8: {  	[tilespmem:s24], [sflag:$0x1] =	stream.indirect_vreg.gather [hbm4b:s7+s3], $0x80, v4, vm0, $0xb8;
	[tilespmem:$0x10200] =	vst v63  }
0x2f9: {  	s30 =	simm.s32 $0x6200  }
0x2fa: {  	[tilespmem:s30], [sflag:$0x1] =	stream.indirect_vreg.gather [hbm4b:s2+s3], $0x80, v3, vm0, $0xb8;
	[tilespmem:$0x10200] =	vst v63  }
0x2fb: {  	s4 =	simm.s32 $0x6A00  }
0x2fc: {  	[tilespmem:s4], [sflag:$0x1] =	stream.indirect_vreg.gather [hbm4b:s5+s3], $0x80, v3, vm0, $0xb8;
	[tilespmem:$0x10200] =	vst v63  }
0x2fd: {  	s8 =	simm.s32 $0x7200  }
0x2fe: {  	[tilespmem:s8], [sflag:$0x1] =	stream.indirect_vreg.gather [hbm4b:s6+s3], $0x80, v3, vm0, $0xb8;
	[tilespmem:$0x10200] =	vst v63  }
0x2ff: {  	s15 =	simm.s32 $0x7A00  }
0x300: {  	[tilespmem:s15], [sflag:$0x1] =	stream.indirect_vreg.gather [hbm4b:s7+s3], $0x80, v3, vm0, $0xb8;
	[tilespmem:$0x10200] =	vst v63  }
0x301: {  	_ =	swait.ge [sflag:s20], $0x8000  }
0x302: {  	[sflag:s20] =	ssyncset.done $0x0  }
0x303: {  	s16 =	rddreg [dreg:$0x11];
	[sflag:s20] =	ssyncadd.s32 $0xFFFF8000  }
0x304: {  	[hbm4b:s16+s3] =	stream.linear.scatter [tilespmem:s26], [sflag:$0x4], $0x8000, $0x38;
	[tilespmem:$0x10200] =	vst v63  }
0x305: {  	_ =	swait.ge [sflag:s21], $0x8000  }
0x306: {  	[sflag:s21] =	ssyncset.done $0x0  }
0x307: {  	[sflag:s21] =	ssyncadd.s32 $0xFFFF8000  }
0x308: {  	v3 =	vld [tilespmem:$0x1E0];
	_ =	sdelay $0x4  }
0x309: {  	v62 =	vshll.u32 v3, $0x3  }
0x30a: {  	v3 =	vand.u32 $0x7, v3;
	v4 =	vand.u32 $0xFFFFFFC0, v62  }
0x30b: {  	v3 =	vor.u32 v3, v4  }
0x30c: {  	v4 =	vperm.xlane v3, v0;
	_ =	sdelay $0x1  }
0x30d: {  	v4 =	vadd.s32 v1, v4;
	_ =	sdelay $0x4  }
0x30e: {  	[tilespmem:s26], [sflag:$0x2] =	stream.indirect_vreg.gather [hbm4b:s2+s3], $0x80, v4, vm0, $0xb8;
	[tilespmem:$0x10200] =	vst v63  }
0x30f: {  	s11 =	simm.s32 $0x8A00;
	v3 =	vperm.xlane v3, v2  }
0x310: {  	[tilespmem:s11], [sflag:$0x2] =	stream.indirect_vreg.gather [hbm4b:s5+s3], $0x80, v4, vm0, $0xb8;
	[tilespmem:$0x10200] =	vst v63  }
0x311: {  	s1 =	simm.s32 $0x9200;
	v3 =	vadd.s32 v1, v3  }
0x312: {  	[tilespmem:s1], [sflag:$0x2] =	stream.indirect_vreg.gather [hbm4b:s6+s3], $0x80, v4, vm0, $0xb8;
	[tilespmem:$0x10200] =	vst v63  }
0x313: {  	s17 =	simm.s32 $0x9A00  }
0x314: {  	[tilespmem:s17], [sflag:$0x2] =	stream.indirect_vreg.gather [hbm4b:s7+s3], $0x80, v4, vm0, $0xb8;
	[tilespmem:$0x10200] =	vst v63  }
0x315: {  	s25 =	simm.s32 $0xA200  }
0x316: {  	[tilespmem:s25], [sflag:$0x2] =	stream.indirect_vreg.gather [hbm4b:s2+s3], $0x80, v3, vm0, $0xb8;
	[tilespmem:$0x10200] =	vst v63  }
0x317: {  	s10 =	simm.s32 $0xAA00  }
0x318: {  	[tilespmem:s10], [sflag:$0x2] =	stream.indirect_vreg.gather [hbm4b:s5+s3], $0x80, v3, vm0, $0xb8;
	[tilespmem:$0x10200] =	vst v63  }
0x319: {  	s12 =	simm.s32 $0xB200  }
0x31a: {  	[tilespmem:s12], [sflag:$0x2] =	stream.indirect_vreg.gather [hbm4b:s6+s3], $0x80, v3, vm0, $0xb8;
	[tilespmem:$0x10200] =	vst v63  }
0x31b: {  	s22 =	simm.s32 $0xBA00  }
0x31c: {  	[tilespmem:s22], [sflag:$0x2] =	stream.indirect_vreg.gather [hbm4b:s7+s3], $0x80, v3, vm0, $0xb8;
	[tilespmem:$0x10200] =	vst v63  }
0x31d: {  	v3 =	vld [tilespmem:$0x1F0];
	_ =	sdelay $0x4  }
0x31e: {  	v63 =	vshll.u32 v3, $0x3  }
0x31f: {  	v3 =	vand.u32 $0x7, v3;
	v4 =	vand.u32 $0xFFFFFFC0, v63  }
0x320: {  	v3 =	vor.u32 v3, v4  }
0x321: {  	v4 =	vperm.xlane v3, v0;
	_ =	sdelay $0x1  }
0x322: {  	v4 =	vadd.s32 v1, v4;
	_ =	sdelay $0x3  }
0x323: {  	s24 =	simm.s32 $0xC200  }
0x324: {  	[tilespmem:s24], [sflag:$0x2] =	stream.indirect_vreg.gather [hbm4b:s2+s3], $0x80, v4, vm0, $0xb8;
	[tilespmem:$0x10200] =	vst v63  }
0x325: {  	s25 =	simm.s32 $0xCA00;
	v3 =	vperm.xlane v3, v2  }
0x326: {  	[tilespmem:s25], [sflag:$0x2] =	stream.indirect_vreg.gather [hbm4b:s5+s3], $0x80, v4, vm0, $0xb8;
	[tilespmem:$0x10200] =	vst v63  }
0x327: {  	s23 =	simm.s32 $0xD200;
	v3 =	vadd.s32 v1, v3  }
0x328: {  	[tilespmem:s23], [sflag:$0x2] =	stream.indirect_vreg.gather [hbm4b:s6+s3], $0x80, v4, vm0, $0xb8;
	[tilespmem:$0x10200] =	vst v63  }
0x329: {  	s13 =	simm.s32 $0xDA00  }
0x32a: {  	[tilespmem:s13], [sflag:$0x2] =	stream.indirect_vreg.gather [hbm4b:s7+s3], $0x80, v4, vm0, $0xb8;
	[tilespmem:$0x10200] =	vst v63  }
0x32b: {  	s14 =	simm.s32 $0xE200  }
0x32c: {  	[tilespmem:s14], [sflag:$0x2] =	stream.indirect_vreg.gather [hbm4b:s2+s3], $0x80, v3, vm0, $0xb8;
	[tilespmem:$0x10200] =	vst v63  }
0x32d: {  	s29 =	simm.s32 $0xEA00  }
0x32e: {  	[tilespmem:s29], [sflag:$0x2] =	stream.indirect_vreg.gather [hbm4b:s5+s3], $0x80, v3, vm0, $0xb8;
	[tilespmem:$0x10200] =	vst v63  }
0x32f: {  	s31 =	simm.s32 $0xF200  }
0x330: {  	[tilespmem:s31], [sflag:$0x2] =	stream.indirect_vreg.gather [hbm4b:s6+s3], $0x80, v3, vm0, $0xb8;
	[tilespmem:$0x10200] =	vst v63  }
0x331: {  	s29 =	simm.s32 $0xFA00  }
0x332: {  	[tilespmem:s29], [sflag:$0x2] =	stream.indirect_vreg.gather [hbm4b:s7+s3], $0x80, v3, vm0, $0xb8;
	[tilespmem:$0x10200] =	vst v63  }
0x333: {  	_ =	swait.ge [sflag:s18], $0x8000  }
0x334: {  	[sflag:s18] =	ssyncset.done $0x0  }
0x335: {  	s30 =	rddreg [dreg:$0x12];
	[sflag:s18] =	ssyncadd.s32 $0xFFFF8000  }
0x336: {  	[hbm4b:s30+s3] =	stream.linear.scatter [tilespmem:s9], [sflag:$0x3], $0x8000, $0x38;
	[tilespmem:$0x10200] =	vst v63  }
0x337: {  	_ =	swait.ge [sflag:s20], $0x8000  }
0x338: {  	[sflag:s20] =	ssyncset.done $0x0  }
0x339: {  	s31 =	rddreg [dreg:$0x13];
	[sflag:s20] =	ssyncadd.s32 $0xFFFF8000  }
0x33a: {  	[hbm4b:s31+s3] =	stream.linear.scatter [tilespmem:s26], [sflag:$0x4], $0x8000, $0x38;
	[tilespmem:$0x10200] =	vst v63  }
0x33b: {  	p0 =	sne.s32 s28, $0x1;
	_ =	swait.ge [sflag:s19], $0x8000  }
.Ltmp0:
0x33c: {  	[sflag:s19] =	ssyncset.done $0x0;
	(pc) =	sbr.rel @p0 .LBB2_1-.Ltmp0, $4  }
0x33d: {  	[sflag:s19] =	ssyncadd.s32 $0xFFFF8000  }
0x33e: {  	_ =	swait.ge [sflag:s21], $0x8000  }
0x33f: {  	[sflag:s21] =	ssyncset.done $0x0  }
0x340: {  	s28 =	sadd.s32 $0xFFFFFFFF, s28;
	[sflag:s21] =	ssyncadd.s32 $0xFFFF8000  }
0x341: {  	_ =	sfence.sel $0x180000  }
0x342: {  	[bflag:$0x0] =	sbarrier.arrive $0xFFFF  }
0x343: {  	_ =	strace $0x90000047  }
0x344: {  	s0 =	stileid.u32;
	[bflag:$0x2] =	sbarrier.arrive $0xFFFF  }
0x345: {  	p0 =	sne.s32 s0, $0x0;
	s0 =	rddreg [dreg:$0x3]  }
0x346: {  	s0 =	sadd.s32 @!p0 $0x100000, s0  }
0x347: {  	[sflag:s0] =	ssyncadd.tile.s32 @!p0 $0x1;
	_ =	shalt  }
.Lfunc_end2:
_tile_overlayer_lowered:
.L_overlay_start_2:
0x348: {  	(tag) =	ssettag $0x2  }
0x349: {  	s0 =	rddreg [dreg:$0x0];
	s2 =	stileid.u32  }
0x34a: {  	s1 =	rddreg [dreg:$0x1];
	p0 =	sne.s32 s2, $0x0  }
0x34b: {  	s3 =	rddreg [dreg:$0x2];
	[bflag:$0x3] =	sbarrier.arrive $0xFFFF;
	s2 =	simm.s32 @!p0 $0x1C05  }
0x34c: {  	[timem:s3], [sflag:s2] =	dma.local @!p0 [hbm:s0], s1  }
0x34d: {  	s0 =	simm.s32 @!p0 $0x5  }
0x34e: {  	_ =	swait.ge @!p0 [sflag:s0], s1  }
0x34f: {  	s1 =	ssub.s32 @!p0 $0x0, s1;
	[sflag:s0] =	ssyncset.done @!p0 $0x0  }
0x350: {  	[sflag:s0] =	ssyncadd.s32 @!p0 s1  }
0x351: {  	[bflag:$0x3] =	sbarrier.arrive $0xFFFF  }
0x352: {  	_ =	shalt  }

</sc_bundles>
